<compile_context>
chip_gen: v7x
topology: tpu7x:2x2x1
jax: 0.10.2.dev20260603
libtpu: 0.0.44.dev20260713+nightly
codegen_flags: <defaults>
</compile_context>

<pallas_src>
import jax
import jax.numpy as jnp
import numpy as np
from jax.experimental import pallas as pl
from jax.experimental.pallas import tpu as pltpu

N_TREES = 64
DEPTH = 10
NPT = 2 ** (DEPTH + 1) - 1
D_FEAT = 128
H = 32
TB = 8
N_CHUNKS = 2
CT = N_TREES // N_CHUNKS
GRID = CT // TB


def _bitrev(n_bits: int) -> np.ndarray:
    q = np.arange(1 << n_bits, dtype=np.int64)
    r = np.zeros_like(q)
    for b in range(n_bits):
        r |= ((q >> b) & 1) << (n_bits - 1 - b)
    return r


def _chunk_gather_indices():
    per_level = []
    for L in range(DEPTH, -1, -1):
        node = (1 << L) - 1 + _bitrev(L)
        tree = NPT * np.arange(CT, dtype=np.int64)[None, :]
        per_level.append((node[:, None] + tree).reshape(-1))
    one_chunk = np.concatenate(per_level)
    return [(one_chunk + g * CT * NPT).astype(np.int32)
            for g in range(N_CHUNKS)]


_CHUNK_IDX = _chunk_gather_indices()
_LEVEL_START = np.concatenate(
    [[0], np.cumsum([1 << L for L in range(DEPTH, 0, -1)])]).tolist()


def _forest_body(x_ref, *refs):
    (wi, wo, wu, wf, bi, bo, bu, bf, ui, uo, uu, uf2,
     w1, b1, w2, b2, w_out, b_out) = refs[:18]
    out_ref = refs[18]
    f32 = jnp.float32

    def dot(a, b):
        return jnp.dot(a, b, preferred_element_type=f32)

    x = x_ref[0:1 << DEPTH].reshape(TB << DEPTH, D_FEAT).astype(jnp.bfloat16)
    i2 = 1.0 + jnp.tanh(dot(x, wi[...]) + bi[...])
    u = jnp.tanh(dot(x, wu[...]) + bu[...])
    c = 0.5 * (i2 * u)
    o2 = 1.0 + jnp.tanh(dot(x, wo[...]) + bo[...])
    h2 = o2 * jnp.tanh(c)
    acc = h2.reshape(1 << DEPTH, TB, H).sum(axis=0)

    for step, L in enumerate(range(DEPTH - 1, -1, -1)):
        k = TB << L
        start = _LEVEL_START[step + 1]
        x = x_ref[start:start + (1 << L)].reshape(k, D_FEAT).astype(jnp.bfloat16)
        hs = h2[:k] + h2[k:]
        i2 = 1.0 + jnp.tanh(dot(x, wi[...]) + bi[...] + dot(hs, ui[...]))
        u = jnp.tanh(dot(x, wu[...]) + bu[...] + dot(hs, uu[...]))
        zf = dot(x, wf[...]) + bf[...]
        fpre = jnp.concatenate([zf, zf], axis=0) + dot(h2, uf2[...])
        f2 = 1.0 + jnp.tanh(fpre)
        fc = f2 * c
        o2 = 1.0 + jnp.tanh(dot(x, wo[...]) + bo[...] + dot(hs, uo[...]))
        c = 0.5 * (i2 * u + fc[:k] + fc[k:])
        h2 = o2 * jnp.tanh(c)
        acc = acc + h2.reshape(1 << L, TB, H).sum(axis=0)

    xh = jax.nn.relu(acc * (0.5 / NPT))
    xh = jax.nn.relu(jnp.dot(xh, w1[...], preferred_element_type=f32) + b1[...])
    xh = jax.nn.relu(jnp.dot(xh, w2[...], preferred_element_type=f32) + b2[...])
    out_ref[...] = jnp.dot(xh, w_out[...], preferred_element_type=f32) + b_out[...]


def _full(shape):
    return pl.BlockSpec(shape, lambda i: tuple(0 for _ in shape))


@jax.jit
def _forest_forward(features, w_iou, b_iou, u_iou, w_f, b_f, u_f,
                    w1, b1, w2, b2, w_out, b_out):
    bf16 = jnp.bfloat16
    wi = (w_iou[:, :H] * 0.5).astype(bf16)
    wo = (w_iou[:, H:2 * H] * 0.5).astype(bf16)
    wu = w_iou[:, 2 * H:].astype(bf16)
    wf = (w_f * 0.5).astype(bf16)
    bi = (b_iou[:H] * 0.5).reshape(1, H)
    bo = (b_iou[H:2 * H] * 0.5).reshape(1, H)
    bu = b_iou[2 * H:].reshape(1, H)
    bfh = (b_f * 0.5).reshape(1, H)
    ui = u_iou[:, :H] * 0.25
    uo = u_iou[:, H:2 * H] * 0.25
    uu = u_iou[:, 2 * H:] * 0.5
    uf2 = u_f * 0.25
    x_specs = [pl.BlockSpec((NPT, TB, D_FEAT), lambda i: (0, i, 0))]
    w_specs = [
        _full((D_FEAT, H)), _full((D_FEAT, H)), _full((D_FEAT, H)),
        _full((D_FEAT, H)),
        _full((1, H)), _full((1, H)), _full((1, H)), _full((1, H)),
        _full((H, H)), _full((H, H)), _full((H, H)), _full((H, H)),
        _full((H, H)), _full((1, H)), _full((H, H)), _full((1, H)),
        _full((H, 1)), _full((1, 1)),
    ]
    call = pl.pallas_call(
        _forest_body,
        grid=(GRID,),
        in_specs=x_specs + w_specs,
        out_specs=pl.BlockSpec((TB, 1), lambda i: (i, 0)),
        out_shape=jax.ShapeDtypeStruct((CT, 1), jnp.float32),
        compiler_params=pltpu.CompilerParams(
            dimension_semantics=("arbitrary",)),
    )
    xgs = [jnp.take(features, _CHUNK_IDX[g], axis=0,
                    mode="clip").reshape(NPT, CT, D_FEAT)
           for g in range(N_CHUNKS)]
    outs = [call(
        xg, wi, wo, wu, wf, bi, bo, bu, bfh, ui, uo, uu, uf2,
        w1, b1.reshape(1, -1), w2, b2.reshape(1, -1), w_out,
        b_out.reshape(1, -1)) for xg in xgs]
    return jnp.concatenate(outs, axis=0).reshape(-1)


def kernel(features, node_order, adjacency_list, edge_order, tree_sizes,
           W_iou, b_iou, U_iou, W_f, b_f, U_f, W1, b1, W2, b2, W_out, b_out):
    del node_order, adjacency_list, edge_order, tree_sizes
    return _forest_forward(features, W_iou, b_iou, U_iou, W_f, b_f, U_f,
                           W1, b1, W2, b2, W_out, b_out)

# --- scband reference (transcript-rebuilt; emitter-appended) ---
"""Pipeline reference for scband-tree-lstmmodel-63239098466675 (READ-ONLY COPY).

The authoritative reference and input builder live on the scoring server;
editing this copy changes nothing except your own understanding.
"""

import jax, jax.numpy as jnp
import numpy as np

N_TREES = 64
DEPTH = 10
D_FEAT = 128
H = 32

def _build_forest():
    npt = 2 ** (DEPTH + 1) - 1
    levels = np.floor(np.log2(np.arange(1, npt + 1))).astype(np.int64)
    node_order_single = (DEPTH - levels).astype(np.int64)
    n_internal = 2 ** DEPTH - 1
    p = np.arange(n_internal, dtype=np.int64)
    parents = np.repeat(p, 2)
    children = np.empty_like(parents)
    children[0::2] = 2 * p + 1
    children[1::2] = 2 * p + 2
    node_order = np.tile(node_order_single, N_TREES)
    offs = np.arange(N_TREES, dtype=np.int64) * npt
    adj = np.stack([parents, children], axis=1)
    adj_all = (adj[None, :, :] + offs[:, None, None]).reshape(-1, 2)
    edge_order = np.tile(node_order_single[parents], N_TREES)
    tree_sizes = np.full(N_TREES, npt, dtype=np.int64)
    return node_order, adj_all, edge_order, tree_sizes

def setup_inputs(seed: int = 0):
    key = jax.random.key(seed)
    ks = jax.random.split(key, 16)
    node_order, adj, edge_order, tree_sizes = _build_forest()
    n_nodes = node_order.shape[0]
    def w(k, shape, fan_in):
        return jax.random.normal(k, shape, dtype=jnp.float32) / np.sqrt(fan_in)
    return {
        'features': jax.random.normal(ks[0], (n_nodes, D_FEAT), dtype=jnp.float32),
        'node_order': jnp.asarray(node_order),
        'adjacency_list': jnp.asarray(adj),
        'edge_order': jnp.asarray(edge_order),
        'tree_sizes': jnp.asarray(tree_sizes),
        'W_iou': w(ks[1], (D_FEAT, 3 * H), D_FEAT),
        'b_iou': jnp.zeros((3 * H,), jnp.float32),
        'U_iou': w(ks[2], (H, 3 * H), H),
        'W_f': w(ks[3], (D_FEAT, H), D_FEAT),
        'b_f': jnp.zeros((H,), jnp.float32),
        'U_f': w(ks[4], (H, H), H),
        'W1': w(ks[5], (H, H), H), 'b1': jnp.zeros((H,), jnp.float32),
        'W2': w(ks[6], (H, H), H), 'b2': jnp.zeros((H,), jnp.float32),
        'W_out': w(ks[7], (H, 1), H), 'b_out': jnp.zeros((1,), jnp.float32),
    }

def _tree_lstm(features, node_order, adj, edge_order, node_order_np, edge_order_np, W_iou, b_iou, U_iou, W_f, b_f, U_f):
    n = features.shape[0]
    h = jnp.zeros((n, H), features.dtype)
    c = jnp.zeros((n, H), features.dtype)
    n_iter = int(node_order_np.max()) + 1
    for it in range(n_iter):
        k_nodes = int((node_order_np == it).sum())
        node_idx = jnp.nonzero(node_order == it, size=k_nodes)[0]
        x = features[node_idx]
        if it == 0:
            iou = x @ W_iou + b_iou
            i, o, u = jnp.split(iou, 3, axis=1)
            i = jax.nn.sigmoid(i); o = jax.nn.sigmoid(o); u = jnp.tanh(u)
            c_new = i * u
        else:
            k_edges = int((edge_order_np == it).sum())
            e_idx = jnp.nonzero(edge_order == it, size=k_edges)[0]
            parent = adj[e_idx, 0]
            child = adj[e_idx, 1]
            child_h = h[child]
            child_c = c[child]
            seg = jnp.searchsorted(node_idx, parent)
            h_sum = jax.ops.segment_sum(child_h, seg, num_segments=k_nodes)
            iou = x @ W_iou + b_iou + h_sum @ U_iou
            i, o, u = jnp.split(iou, 3, axis=1)
            i = jax.nn.sigmoid(i); o = jax.nn.sigmoid(o); u = jnp.tanh(u)
            f = jax.nn.sigmoid(features[parent] @ W_f + b_f + child_h @ U_f)
            c_sum = jax.ops.segment_sum(f * child_c, seg, num_segments=k_nodes)
            c_new = i * u + c_sum
        c = c.at[node_idx].set(c_new)
        h = h.at[node_idx].set(o * jnp.tanh(c_new))
    return h, c

def reference(features, node_order, adjacency_list, edge_order, tree_sizes, W_iou, b_iou, U_iou, W_f, b_f, U_f, W1, b1, W2, b2, W_out, b_out):
    node_order_np, _adj_np, edge_order_np, ts_np = _build_forest()
    h, _c = _tree_lstm(features, node_order, adjacency_list, edge_order, node_order_np, edge_order_np, W_iou, b_iou, U_iou, W_f, b_f, U_f)
    seg_ids = jnp.asarray(np.repeat(np.arange(ts_np.shape[0]), ts_np))
    sums = jax.ops.segment_sum(h, seg_ids, num_segments=ts_np.shape[0])
    x = sums / tree_sizes.astype(jnp.float32)[:, None]
    x = jax.nn.relu(x)  # dropout is identity in eval mode
    x = jax.nn.relu(x @ W1 + b1)
    x = jax.nn.relu(x @ W2 + b2)
    x = x @ W_out + b_out
    return x.reshape(-1)

if __name__ == "__main__":
    import jax
    _d = setup_inputs()
    print(jax.jit(kernel)(*tuple(_d.values())))

</pallas_src>

<mosaic_0001>
module attributes {stable_mosaic.version = 14 : i64} {
  func.func @_forest_body(%arg0: i32, %arg1: memref<2047x8x128xf32, #tpu.memory_space<vmem>>, %arg2: memref<128x32xbf16, #tpu.memory_space<vmem>>, %arg3: memref<128x32xbf16, #tpu.memory_space<vmem>>, %arg4: memref<128x32xbf16, #tpu.memory_space<vmem>>, %arg5: memref<128x32xbf16, #tpu.memory_space<vmem>>, %arg6: memref<1x32xf32, #tpu.memory_space<vmem>>, %arg7: memref<1x32xf32, #tpu.memory_space<vmem>>, %arg8: memref<1x32xf32, #tpu.memory_space<vmem>>, %arg9: memref<1x32xf32, #tpu.memory_space<vmem>>, %arg10: memref<32x32xf32, #tpu.memory_space<vmem>>, %arg11: memref<32x32xf32, #tpu.memory_space<vmem>>, %arg12: memref<32x32xf32, #tpu.memory_space<vmem>>, %arg13: memref<32x32xf32, #tpu.memory_space<vmem>>, %arg14: memref<32x32xf32, #tpu.memory_space<vmem>>, %arg15: memref<1x32xf32, #tpu.memory_space<vmem>>, %arg16: memref<32x32xf32, #tpu.memory_space<vmem>>, %arg17: memref<1x32xf32, #tpu.memory_space<vmem>>, %arg18: memref<32x1xf32, #tpu.memory_space<vmem>>, %arg19: memref<1x1xf32, #tpu.memory_space<vmem>>, %arg20: memref<8x1xf32, #tpu.memory_space<vmem>>) attributes {dimension_semantics = [#tpu.dimension_semantics<arbitrary>], iteration_bounds = array<i64: 4>, scalar_prefetch = 0 : i64, scratch_operands = 0 : i64, tpu.core_type = #tpu.core_type<tc>, window_params = [{transform_indices = @transform_0, window_bounds = array<i64: 2047, 8, 128>}, {pipeline_mode = #tpu.pipeline_mode<synchronous>, transform_indices = @transform_1, window_bounds = array<i64: 128, 32>}, {pipeline_mode = #tpu.pipeline_mode<synchronous>, transform_indices = @transform_2, window_bounds = array<i64: 128, 32>}, {pipeline_mode = #tpu.pipeline_mode<synchronous>, transform_indices = @transform_3, window_bounds = array<i64: 128, 32>}, {pipeline_mode = #tpu.pipeline_mode<synchronous>, transform_indices = @transform_4, window_bounds = array<i64: 128, 32>}, {pipeline_mode = #tpu.pipeline_mode<synchronous>, transform_indices = @transform_5, window_bounds = array<i64: 1, 32>}, {pipeline_mode = #tpu.pipeline_mode<synchronous>, transform_indices = @transform_6, window_bounds = array<i64: 1, 32>}, {pipeline_mode = #tpu.pipeline_mode<synchronous>, transform_indices = @transform_7, window_bounds = array<i64: 1, 32>}, {pipeline_mode = #tpu.pipeline_mode<synchronous>, transform_indices = @transform_8, window_bounds = array<i64: 1, 32>}, {pipeline_mode = #tpu.pipeline_mode<synchronous>, transform_indices = @transform_9, window_bounds = array<i64: 32, 32>}, {pipeline_mode = #tpu.pipeline_mode<synchronous>, transform_indices = @transform_10, window_bounds = array<i64: 32, 32>}, {pipeline_mode = #tpu.pipeline_mode<synchronous>, transform_indices = @transform_11, window_bounds = array<i64: 32, 32>}, {pipeline_mode = #tpu.pipeline_mode<synchronous>, transform_indices = @transform_12, window_bounds = array<i64: 32, 32>}, {pipeline_mode = #tpu.pipeline_mode<synchronous>, transform_indices = @transform_13, window_bounds = array<i64: 32, 32>}, {pipeline_mode = #tpu.pipeline_mode<synchronous>, transform_indices = @transform_14, window_bounds = array<i64: 1, 32>}, {pipeline_mode = #tpu.pipeline_mode<synchronous>, transform_indices = @transform_15, window_bounds = array<i64: 32, 32>}, {pipeline_mode = #tpu.pipeline_mode<synchronous>, transform_indices = @transform_16, window_bounds = array<i64: 1, 32>}, {pipeline_mode = #tpu.pipeline_mode<synchronous>, transform_indices = @transform_17, window_bounds = array<i64: 32, 1>}, {pipeline_mode = #tpu.pipeline_mode<synchronous>, transform_indices = @transform_18, window_bounds = array<i64: 1, 1>}, {transform_indices = @transform_19, window_bounds = array<i64: 8, 1>}]} {
    %get3A = arith.constant 0 : index
    %get3A_0 = arith.constant 0 : index
    %get3A_1 = arith.constant 0 : index
    %get3A_2 = vector.load %arg1[%get3A, %get3A_0, %get3A_1] : memref<2047x8x128xf32, #tpu.memory_space<vmem>>, vector<1024x8x128xf32>
    %reshape3A = vector.shape_cast %get3A_2 : vector<1024x8x128xf32> to vector<8192x128xf32>
    %convert_element_type3A = arith.truncf %reshape3A : vector<8192x128xf32> to vector<8192x128xbf16>
    %get3A_3 = arith.constant 0 : index
    %get3A_4 = arith.constant 0 : index
    %get3A_5 = vector.load %arg2[%get3A_3, %get3A_4] : memref<128x32xbf16, #tpu.memory_space<vmem>>, vector<128x32xbf16>
    %dot_general3A = arith.constant dense<0.000000e+00> : vector<8192x32xf32>
    %dot_general3A_6 = tpu.matmul %convert_element_type3A, %get3A_5, %dot_general3A {dimension_numbers = #tpu.dot_dimension_numbers<[1], [0], [0], [1], [0, 0, 1, 1], [], []>, transpose_lhs_hint = false} : vector<8192x128xbf16>, vector<128x32xbf16>, vector<8192x32xf32> -> vector<8192x32xf32>
    %get3A_7 = arith.constant 0 : index
    %get3A_8 = arith.constant 0 : index
    %get3A_9 = vector.load %arg6[%get3A_7, %get3A_8] : memref<1x32xf32, #tpu.memory_space<vmem>>, vector<1x32xf32>
    %add3A = vector.broadcast %get3A_9 : vector<1x32xf32> to vector<8192x32xf32>
    %add3A_10 = arith.addf %dot_general3A_6, %add3A : vector<8192x32xf32>
    %tanh3A = math.tanh %add3A_10 : vector<8192x32xf32>
    %add3A_11 = arith.constant 1.000000e+00 : f32
    %add3A_12 = vector.broadcast %add3A_11 : f32 to vector<8192x32xf32>
    %add3A_13 = arith.addf %add3A_12, %tanh3A : vector<8192x32xf32>
    %get3A_14 = arith.constant 0 : index
    %get3A_15 = arith.constant 0 : index
    %get3A_16 = vector.load %arg4[%get3A_14, %get3A_15] : memref<128x32xbf16, #tpu.memory_space<vmem>>, vector<128x32xbf16>
    %dot_general3A_17 = arith.constant dense<0.000000e+00> : vector<8192x32xf32>
    %dot_general3A_18 = tpu.matmul %convert_element_type3A, %get3A_16, %dot_general3A_17 {dimension_numbers = #tpu.dot_dimension_numbers<[1], [0], [0], [1], [0, 0, 1, 1], [], []>, transpose_lhs_hint = false} : vector<8192x128xbf16>, vector<128x32xbf16>, vector<8192x32xf32> -> vector<8192x32xf32>
    %get3A_19 = arith.constant 0 : index
    %get3A_20 = arith.constant 0 : index
    %get3A_21 = vector.load %arg8[%get3A_19, %get3A_20] : memref<1x32xf32, #tpu.memory_space<vmem>>, vector<1x32xf32>
    %add3A_22 = vector.broadcast %get3A_21 : vector<1x32xf32> to vector<8192x32xf32>
    %add3A_23 = arith.addf %dot_general3A_18, %add3A_22 : vector<8192x32xf32>
    %tanh3A_24 = math.tanh %add3A_23 : vector<8192x32xf32>
    %mul3A = arith.mulf %add3A_13, %tanh3A_24 : vector<8192x32xf32>
    %mul3A_25 = arith.constant 5.000000e-01 : f32
    %mul3A_26 = vector.broadcast %mul3A_25 : f32 to vector<8192x32xf32>
    %mul3A_27 = arith.mulf %mul3A_26, %mul3A : vector<8192x32xf32>
    %get3A_28 = arith.constant 0 : index
    %get3A_29 = arith.constant 0 : index
    %get3A_30 = vector.load %arg3[%get3A_28, %get3A_29] : memref<128x32xbf16, #tpu.memory_space<vmem>>, vector<128x32xbf16>
    %dot_general3A_31 = arith.constant dense<0.000000e+00> : vector<8192x32xf32>
    %dot_general3A_32 = tpu.matmul %convert_element_type3A, %get3A_30, %dot_general3A_31 {dimension_numbers = #tpu.dot_dimension_numbers<[1], [0], [0], [1], [0, 0, 1, 1], [], []>, transpose_lhs_hint = false} : vector<8192x128xbf16>, vector<128x32xbf16>, vector<8192x32xf32> -> vector<8192x32xf32>
    %get3A_33 = arith.constant 0 : index
    %get3A_34 = arith.constant 0 : index
    %get3A_35 = vector.load %arg7[%get3A_33, %get3A_34] : memref<1x32xf32, #tpu.memory_space<vmem>>, vector<1x32xf32>
    %add3A_36 = vector.broadcast %get3A_35 : vector<1x32xf32> to vector<8192x32xf32>
    %add3A_37 = arith.addf %dot_general3A_32, %add3A_36 : vector<8192x32xf32>
    %tanh3A_38 = math.tanh %add3A_37 : vector<8192x32xf32>
    %add3A_39 = arith.constant 1.000000e+00 : f32
    %add3A_40 = vector.broadcast %add3A_39 : f32 to vector<8192x32xf32>
    %add3A_41 = arith.addf %add3A_40, %tanh3A_38 : vector<8192x32xf32>
    %tanh3A_42 = math.tanh %mul3A_27 : vector<8192x32xf32>
    %mul3A_43 = arith.mulf %add3A_41, %tanh3A_42 : vector<8192x32xf32>
    %reshape3A_44 = vector.shape_cast %mul3A_43 : vector<8192x32xf32> to vector<1024x8x32xf32>
    %reduce_sum3A = arith.constant dense<0.000000e+00> : vector<8x32xf32>
    %reduce_sum3A_45 = vector.multi_reduction <add>, %reshape3A_44, %reduce_sum3A [0] : vector<1024x8x32xf32> to vector<8x32xf32>
    %get3A_46 = arith.constant 1024 : index
    %get3A_47 = arith.constant 0 : index
    %get3A_48 = arith.constant 0 : index
    %get3A_49 = vector.load %arg1[%get3A_46, %get3A_47, %get3A_48] : memref<2047x8x128xf32, #tpu.memory_space<vmem>>, vector<512x8x128xf32>
    %reshape3A_50 = vector.shape_cast %get3A_49 : vector<512x8x128xf32> to vector<4096x128xf32>
    %convert_element_type3A_51 = arith.truncf %reshape3A_50 : vector<4096x128xf32> to vector<4096x128xbf16>
    %slice3A = vector.extract_strided_slice %mul3A_43 {offsets = [0, 0], sizes = [4096, 32], strides = [1, 1]} : vector<8192x32xf32> to vector<4096x32xf32>
    %slice3A_52 = vector.extract_strided_slice %mul3A_43 {offsets = [4096, 0], sizes = [4096, 32], strides = [1, 1]} : vector<8192x32xf32> to vector<4096x32xf32>
    %add3A_53 = arith.addf %slice3A, %slice3A_52 : vector<4096x32xf32>
    %get3A_54 = arith.constant 0 : index
    %get3A_55 = arith.constant 0 : index
    %get3A_56 = vector.load %arg2[%get3A_54, %get3A_55] : memref<128x32xbf16, #tpu.memory_space<vmem>>, vector<128x32xbf16>
    %dot_general3A_57 = arith.constant dense<0.000000e+00> : vector<4096x32xf32>
    %dot_general3A_58 = tpu.matmul %convert_element_type3A_51, %get3A_56, %dot_general3A_57 {dimension_numbers = #tpu.dot_dimension_numbers<[1], [0], [0], [1], [0, 0, 1, 1], [], []>, transpose_lhs_hint = false} : vector<4096x128xbf16>, vector<128x32xbf16>, vector<4096x32xf32> -> vector<4096x32xf32>
    %get3A_59 = arith.constant 0 : index
    %get3A_60 = arith.constant 0 : index
    %get3A_61 = vector.load %arg6[%get3A_59, %get3A_60] : memref<1x32xf32, #tpu.memory_space<vmem>>, vector<1x32xf32>
    %add3A_62 = vector.broadcast %get3A_61 : vector<1x32xf32> to vector<4096x32xf32>
    %add3A_63 = arith.addf %dot_general3A_58, %add3A_62 : vector<4096x32xf32>
    %get3A_64 = arith.constant 0 : index
    %get3A_65 = arith.constant 0 : index
    %get3A_66 = vector.load %arg10[%get3A_64, %get3A_65] : memref<32x32xf32, #tpu.memory_space<vmem>>, vector<32x32xf32>
    %dot_general3A_67 = arith.constant dense<0.000000e+00> : vector<4096x32xf32>
    %dot_general3A_68 = tpu.matmul %add3A_53, %get3A_66, %dot_general3A_67 {dimension_numbers = #tpu.dot_dimension_numbers<[1], [0], [0], [1], [0, 0, 1, 1], [], []>, transpose_lhs_hint = false} : vector<4096x32xf32>, vector<32x32xf32>, vector<4096x32xf32> -> vector<4096x32xf32>
    %add3A_69 = arith.addf %add3A_63, %dot_general3A_68 : vector<4096x32xf32>
    %tanh3A_70 = math.tanh %add3A_69 : vector<4096x32xf32>
    %add3A_71 = arith.constant 1.000000e+00 : f32
    %add3A_72 = vector.broadcast %add3A_71 : f32 to vector<4096x32xf32>
    %add3A_73 = arith.addf %add3A_72, %tanh3A_70 : vector<4096x32xf32>
    %get3A_74 = arith.constant 0 : index
    %get3A_75 = arith.constant 0 : index
    %get3A_76 = vector.load %arg4[%get3A_74, %get3A_75] : memref<128x32xbf16, #tpu.memory_space<vmem>>, vector<128x32xbf16>
    %dot_general3A_77 = arith.constant dense<0.000000e+00> : vector<4096x32xf32>
    %dot_general3A_78 = tpu.matmul %convert_element_type3A_51, %get3A_76, %dot_general3A_77 {dimension_numbers = #tpu.dot_dimension_numbers<[1], [0], [0], [1], [0, 0, 1, 1], [], []>, transpose_lhs_hint = false} : vector<4096x128xbf16>, vector<128x32xbf16>, vector<4096x32xf32> -> vector<4096x32xf32>
    %get3A_79 = arith.constant 0 : index
    %get3A_80 = arith.constant 0 : index
    %get3A_81 = vector.load %arg8[%get3A_79, %get3A_80] : memref<1x32xf32, #tpu.memory_space<vmem>>, vector<1x32xf32>
    %add3A_82 = vector.broadcast %get3A_81 : vector<1x32xf32> to vector<4096x32xf32>
    %add3A_83 = arith.addf %dot_general3A_78, %add3A_82 : vector<4096x32xf32>
    %get3A_84 = arith.constant 0 : index
    %get3A_85 = arith.constant 0 : index
    %get3A_86 = vector.load %arg12[%get3A_84, %get3A_85] : memref<32x32xf32, #tpu.memory_space<vmem>>, vector<32x32xf32>
    %dot_general3A_87 = arith.constant dense<0.000000e+00> : vector<4096x32xf32>
    %dot_general3A_88 = tpu.matmul %add3A_53, %get3A_86, %dot_general3A_87 {dimension_numbers = #tpu.dot_dimension_numbers<[1], [0], [0], [1], [0, 0, 1, 1], [], []>, transpose_lhs_hint = false} : vector<4096x32xf32>, vector<32x32xf32>, vector<4096x32xf32> -> vector<4096x32xf32>
    %add3A_89 = arith.addf %add3A_83, %dot_general3A_88 : vector<4096x32xf32>
    %tanh3A_90 = math.tanh %add3A_89 : vector<4096x32xf32>
    %get3A_91 = arith.constant 0 : index
    %get3A_92 = arith.constant 0 : index
    %get3A_93 = vector.load %arg5[%get3A_91, %get3A_92] : memref<128x32xbf16, #tpu.memory_space<vmem>>, vector<128x32xbf16>
    %dot_general3A_94 = arith.constant dense<0.000000e+00> : vector<4096x32xf32>
    %dot_general3A_95 = tpu.matmul %convert_element_type3A_51, %get3A_93, %dot_general3A_94 {dimension_numbers = #tpu.dot_dimension_numbers<[1], [0], [0], [1], [0, 0, 1, 1], [], []>, transpose_lhs_hint = false} : vector<4096x128xbf16>, vector<128x32xbf16>, vector<4096x32xf32> -> vector<4096x32xf32>
    %get3A_96 = arith.constant 0 : index
    %get3A_97 = arith.constant 0 : index
    %get3A_98 = vector.load %arg9[%get3A_96, %get3A_97] : memref<1x32xf32, #tpu.memory_space<vmem>>, vector<1x32xf32>
    %add3A_99 = vector.broadcast %get3A_98 : vector<1x32xf32> to vector<4096x32xf32>
    %add3A_100 = arith.addf %dot_general3A_95, %add3A_99 : vector<4096x32xf32>
    %concatenate3A = tpu.concatenate %add3A_100, %add3A_100 in 0 : vector<4096x32xf32>, vector<4096x32xf32> -> vector<8192x32xf32>
    %get3A_101 = arith.constant 0 : index
    %get3A_102 = arith.constant 0 : index
    %get3A_103 = vector.load %arg13[%get3A_101, %get3A_102] : memref<32x32xf32, #tpu.memory_space<vmem>>, vector<32x32xf32>
    %dot_general3A_104 = arith.constant dense<0.000000e+00> : vector<8192x32xf32>
    %dot_general3A_105 = tpu.matmul %mul3A_43, %get3A_103, %dot_general3A_104 {dimension_numbers = #tpu.dot_dimension_numbers<[1], [0], [0], [1], [0, 0, 1, 1], [], []>, transpose_lhs_hint = false} : vector<8192x32xf32>, vector<32x32xf32>, vector<8192x32xf32> -> vector<8192x32xf32>
    %add3A_106 = arith.addf %concatenate3A, %dot_general3A_105 : vector<8192x32xf32>
    %tanh3A_107 = math.tanh %add3A_106 : vector<8192x32xf32>
    %add3A_108 = arith.constant 1.000000e+00 : f32
    %add3A_109 = vector.broadcast %add3A_108 : f32 to vector<8192x32xf32>
    %add3A_110 = arith.addf %add3A_109, %tanh3A_107 : vector<8192x32xf32>
    %mul3A_111 = arith.mulf %add3A_110, %mul3A_27 : vector<8192x32xf32>
    %get3A_112 = arith.constant 0 : index
    %get3A_113 = arith.constant 0 : index
    %get3A_114 = vector.load %arg3[%get3A_112, %get3A_113] : memref<128x32xbf16, #tpu.memory_space<vmem>>, vector<128x32xbf16>
    %dot_general3A_115 = arith.constant dense<0.000000e+00> : vector<4096x32xf32>
    %dot_general3A_116 = tpu.matmul %convert_element_type3A_51, %get3A_114, %dot_general3A_115 {dimension_numbers = #tpu.dot_dimension_numbers<[1], [0], [0], [1], [0, 0, 1, 1], [], []>, transpose_lhs_hint = false} : vector<4096x128xbf16>, vector<128x32xbf16>, vector<4096x32xf32> -> vector<4096x32xf32>
    %get3A_117 = arith.constant 0 : index
    %get3A_118 = arith.constant 0 : index
    %get3A_119 = vector.load %arg7[%get3A_117, %get3A_118] : memref<1x32xf32, #tpu.memory_space<vmem>>, vector<1x32xf32>
    %add3A_120 = vector.broadcast %get3A_119 : vector<1x32xf32> to vector<4096x32xf32>
    %add3A_121 = arith.addf %dot_general3A_116, %add3A_120 : vector<4096x32xf32>
    %get3A_122 = arith.constant 0 : index
    %get3A_123 = arith.constant 0 : index
    %get3A_124 = vector.load %arg11[%get3A_122, %get3A_123] : memref<32x32xf32, #tpu.memory_space<vmem>>, vector<32x32xf32>
    %dot_general3A_125 = arith.constant dense<0.000000e+00> : vector<4096x32xf32>
    %dot_general3A_126 = tpu.matmul %add3A_53, %get3A_124, %dot_general3A_125 {dimension_numbers = #tpu.dot_dimension_numbers<[1], [0], [0], [1], [0, 0, 1, 1], [], []>, transpose_lhs_hint = false} : vector<4096x32xf32>, vector<32x32xf32>, vector<4096x32xf32> -> vector<4096x32xf32>
    %add3A_127 = arith.addf %add3A_121, %dot_general3A_126 : vector<4096x32xf32>
    %tanh3A_128 = math.tanh %add3A_127 : vector<4096x32xf32>
    %add3A_129 = arith.constant 1.000000e+00 : f32
    %add3A_130 = vector.broadcast %add3A_129 : f32 to vector<4096x32xf32>
    %add3A_131 = arith.addf %add3A_130, %tanh3A_128 : vector<4096x32xf32>
    %mul3A_132 = arith.mulf %add3A_73, %tanh3A_90 : vector<4096x32xf32>
    %slice3A_133 = vector.extract_strided_slice %mul3A_111 {offsets = [0, 0], sizes = [4096, 32], strides = [1, 1]} : vector<8192x32xf32> to vector<4096x32xf32>
    %add3A_134 = arith.addf %mul3A_132, %slice3A_133 : vector<4096x32xf32>
    %slice3A_135 = vector.extract_strided_slice %mul3A_111 {offsets = [4096, 0], sizes = [4096, 32], strides = [1, 1]} : vector<8192x32xf32> to vector<4096x32xf32>
    %add3A_136 = arith.addf %add3A_134, %slice3A_135 : vector<4096x32xf32>
    %mul3A_137 = arith.constant 5.000000e-01 : f32
    %mul3A_138 = vector.broadcast %mul3A_137 : f32 to vector<4096x32xf32>
    %mul3A_139 = arith.mulf %mul3A_138, %add3A_136 : vector<4096x32xf32>
    %tanh3A_140 = math.tanh %mul3A_139 : vector<4096x32xf32>
    %mul3A_141 = arith.mulf %add3A_131, %tanh3A_140 : vector<4096x32xf32>
    %reshape3A_142 = vector.shape_cast %mul3A_141 : vector<4096x32xf32> to vector<512x8x32xf32>
    %reduce_sum3A_143 = arith.constant dense<0.000000e+00> : vector<8x32xf32>
    %reduce_sum3A_144 = vector.multi_reduction <add>, %reshape3A_142, %reduce_sum3A_143 [0] : vector<512x8x32xf32> to vector<8x32xf32>
    %add3A_145 = arith.addf %reduce_sum3A_45, %reduce_sum3A_144 : vector<8x32xf32>
    %get3A_146 = arith.constant 1536 : index
    %get3A_147 = arith.constant 0 : index
    %get3A_148 = arith.constant 0 : index
    %get3A_149 = vector.load %arg1[%get3A_146, %get3A_147, %get3A_148] : memref<2047x8x128xf32, #tpu.memory_space<vmem>>, vector<256x8x128xf32>
    %reshape3A_150 = vector.shape_cast %get3A_149 : vector<256x8x128xf32> to vector<2048x128xf32>
    %convert_element_type3A_151 = arith.truncf %reshape3A_150 : vector<2048x128xf32> to vector<2048x128xbf16>
    %slice3A_152 = vector.extract_strided_slice %mul3A_141 {offsets = [0, 0], sizes = [2048, 32], strides = [1, 1]} : vector<4096x32xf32> to vector<2048x32xf32>
    %slice3A_153 = vector.extract_strided_slice %mul3A_141 {offsets = [2048, 0], sizes = [2048, 32], strides = [1, 1]} : vector<4096x32xf32> to vector<2048x32xf32>
    %add3A_154 = arith.addf %slice3A_152, %slice3A_153 : vector<2048x32xf32>
    %get3A_155 = arith.constant 0 : index
    %get3A_156 = arith.constant 0 : index
    %get3A_157 = vector.load %arg2[%get3A_155, %get3A_156] : memref<128x32xbf16, #tpu.memory_space<vmem>>, vector<128x32xbf16>
    %dot_general3A_158 = arith.constant dense<0.000000e+00> : vector<2048x32xf32>
    %dot_general3A_159 = tpu.matmul %convert_element_type3A_151, %get3A_157, %dot_general3A_158 {dimension_numbers = #tpu.dot_dimension_numbers<[1], [0], [0], [1], [0, 0, 1, 1], [], []>, transpose_lhs_hint = false} : vector<2048x128xbf16>, vector<128x32xbf16>, vector<2048x32xf32> -> vector<2048x32xf32>
    %get3A_160 = arith.constant 0 : index
    %get3A_161 = arith.constant 0 : index
    %get3A_162 = vector.load %arg6[%get3A_160, %get3A_161] : memref<1x32xf32, #tpu.memory_space<vmem>>, vector<1x32xf32>
    %add3A_163 = vector.broadcast %get3A_162 : vector<1x32xf32> to vector<2048x32xf32>
    %add3A_164 = arith.addf %dot_general3A_159, %add3A_163 : vector<2048x32xf32>
    %get3A_165 = arith.constant 0 : index
    %get3A_166 = arith.constant 0 : index
    %get3A_167 = vector.load %arg10[%get3A_165, %get3A_166] : memref<32x32xf32, #tpu.memory_space<vmem>>, vector<32x32xf32>
    %dot_general3A_168 = arith.constant dense<0.000000e+00> : vector<2048x32xf32>
    %dot_general3A_169 = tpu.matmul %add3A_154, %get3A_167, %dot_general3A_168 {dimension_numbers = #tpu.dot_dimension_numbers<[1], [0], [0], [1], [0, 0, 1, 1], [], []>, transpose_lhs_hint = false} : vector<2048x32xf32>, vector<32x32xf32>, vector<2048x32xf32> -> vector<2048x32xf32>
    %add3A_170 = arith.addf %add3A_164, %dot_general3A_169 : vector<2048x32xf32>
    %tanh3A_171 = math.tanh %add3A_170 : vector<2048x32xf32>
    %add3A_172 = arith.constant 1.000000e+00 : f32
    %add3A_173 = vector.broadcast %add3A_172 : f32 to vector<2048x32xf32>
    %add3A_174 = arith.addf %add3A_173, %tanh3A_171 : vector<2048x32xf32>
    %get3A_175 = arith.constant 0 : index
    %get3A_176 = arith.constant 0 : index
    %get3A_177 = vector.load %arg4[%get3A_175, %get3A_176] : memref<128x32xbf16, #tpu.memory_space<vmem>>, vector<128x32xbf16>
    %dot_general3A_178 = arith.constant dense<0.000000e+00> : vector<2048x32xf32>
    %dot_general3A_179 = tpu.matmul %convert_element_type3A_151, %get3A_177, %dot_general3A_178 {dimension_numbers = #tpu.dot_dimension_numbers<[1], [0], [0], [1], [0, 0, 1, 1], [], []>, transpose_lhs_hint = false} : vector<2048x128xbf16>, vector<128x32xbf16>, vector<2048x32xf32> -> vector<2048x32xf32>
    %get3A_180 = arith.constant 0 : index
    %get3A_181 = arith.constant 0 : index
    %get3A_182 = vector.load %arg8[%get3A_180, %get3A_181] : memref<1x32xf32, #tpu.memory_space<vmem>>, vector<1x32xf32>
    %add3A_183 = vector.broadcast %get3A_182 : vector<1x32xf32> to vector<2048x32xf32>
    %add3A_184 = arith.addf %dot_general3A_179, %add3A_183 : vector<2048x32xf32>
    %get3A_185 = arith.constant 0 : index
    %get3A_186 = arith.constant 0 : index
    %get3A_187 = vector.load %arg12[%get3A_185, %get3A_186] : memref<32x32xf32, #tpu.memory_space<vmem>>, vector<32x32xf32>
    %dot_general3A_188 = arith.constant dense<0.000000e+00> : vector<2048x32xf32>
    %dot_general3A_189 = tpu.matmul %add3A_154, %get3A_187, %dot_general3A_188 {dimension_numbers = #tpu.dot_dimension_numbers<[1], [0], [0], [1], [0, 0, 1, 1], [], []>, transpose_lhs_hint = false} : vector<2048x32xf32>, vector<32x32xf32>, vector<2048x32xf32> -> vector<2048x32xf32>
    %add3A_190 = arith.addf %add3A_184, %dot_general3A_189 : vector<2048x32xf32>
    %tanh3A_191 = math.tanh %add3A_190 : vector<2048x32xf32>
    %get3A_192 = arith.constant 0 : index
    %get3A_193 = arith.constant 0 : index
    %get3A_194 = vector.load %arg5[%get3A_192, %get3A_193] : memref<128x32xbf16, #tpu.memory_space<vmem>>, vector<128x32xbf16>
    %dot_general3A_195 = arith.constant dense<0.000000e+00> : vector<2048x32xf32>
    %dot_general3A_196 = tpu.matmul %convert_element_type3A_151, %get3A_194, %dot_general3A_195 {dimension_numbers = #tpu.dot_dimension_numbers<[1], [0], [0], [1], [0, 0, 1, 1], [], []>, transpose_lhs_hint = false} : vector<2048x128xbf16>, vector<128x32xbf16>, vector<2048x32xf32> -> vector<2048x32xf32>
    %get3A_197 = arith.constant 0 : index
    %get3A_198 = arith.constant 0 : index
    %get3A_199 = vector.load %arg9[%get3A_197, %get3A_198] : memref<1x32xf32, #tpu.memory_space<vmem>>, vector<1x32xf32>
    %add3A_200 = vector.broadcast %get3A_199 : vector<1x32xf32> to vector<2048x32xf32>
    %add3A_201 = arith.addf %dot_general3A_196, %add3A_200 : vector<2048x32xf32>
    %concatenate3A_202 = tpu.concatenate %add3A_201, %add3A_201 in 0 : vector<2048x32xf32>, vector<2048x32xf32> -> vector<4096x32xf32>
    %get3A_203 = arith.constant 0 : index
    %get3A_204 = arith.constant 0 : index
    %get3A_205 = vector.load %arg13[%get3A_203, %get3A_204] : memref<32x32xf32, #tpu.memory_space<vmem>>, vector<32x32xf32>
    %dot_general3A_206 = arith.constant dense<0.000000e+00> : vector<4096x32xf32>
    %dot_general3A_207 = tpu.matmul %mul3A_141, %get3A_205, %dot_general3A_206 {dimension_numbers = #tpu.dot_dimension_numbers<[1], [0], [0], [1], [0, 0, 1, 1], [], []>, transpose_lhs_hint = false} : vector<4096x32xf32>, vector<32x32xf32>, vector<4096x32xf32> -> vector<4096x32xf32>
    %add3A_208 = arith.addf %concatenate3A_202, %dot_general3A_207 : vector<4096x32xf32>
    %tanh3A_209 = math.tanh %add3A_208 : vector<4096x32xf32>
    %add3A_210 = arith.constant 1.000000e+00 : f32
    %add3A_211 = vector.broadcast %add3A_210 : f32 to vector<4096x32xf32>
    %add3A_212 = arith.addf %add3A_211, %tanh3A_209 : vector<4096x32xf32>
    %mul3A_213 = arith.mulf %add3A_212, %mul3A_139 : vector<4096x32xf32>
    %get3A_214 = arith.constant 0 : index
    %get3A_215 = arith.constant 0 : index
    %get3A_216 = vector.load %arg3[%get3A_214, %get3A_215] : memref<128x32xbf16, #tpu.memory_space<vmem>>, vector<128x32xbf16>
    %dot_general3A_217 = arith.constant dense<0.000000e+00> : vector<2048x32xf32>
    %dot_general3A_218 = tpu.matmul %convert_element_type3A_151, %get3A_216, %dot_general3A_217 {dimension_numbers = #tpu.dot_dimension_numbers<[1], [0], [0], [1], [0, 0, 1, 1], [], []>, transpose_lhs_hint = false} : vector<2048x128xbf16>, vector<128x32xbf16>, vector<2048x32xf32> -> vector<2048x32xf32>
    %get3A_219 = arith.constant 0 : index
    %get3A_220 = arith.constant 0 : index
    %get3A_221 = vector.load %arg7[%get3A_219, %get3A_220] : memref<1x32xf32, #tpu.memory_space<vmem>>, vector<1x32xf32>
    %add3A_222 = vector.broadcast %get3A_221 : vector<1x32xf32> to vector<2048x32xf32>
    %add3A_223 = arith.addf %dot_general3A_218, %add3A_222 : vector<2048x32xf32>
    %get3A_224 = arith.constant 0 : index
    %get3A_225 = arith.constant 0 : index
    %get3A_226 = vector.load %arg11[%get3A_224, %get3A_225] : memref<32x32xf32, #tpu.memory_space<vmem>>, vector<32x32xf32>
    %dot_general3A_227 = arith.constant dense<0.000000e+00> : vector<2048x32xf32>
    %dot_general3A_228 = tpu.matmul %add3A_154, %get3A_226, %dot_general3A_227 {dimension_numbers = #tpu.dot_dimension_numbers<[1], [0], [0], [1], [0, 0, 1, 1], [], []>, transpose_lhs_hint = false} : vector<2048x32xf32>, vector<32x32xf32>, vector<2048x32xf32> -> vector<2048x32xf32>
    %add3A_229 = arith.addf %add3A_223, %dot_general3A_228 : vector<2048x32xf32>
    %tanh3A_230 = math.tanh %add3A_229 : vector<2048x32xf32>
    %add3A_231 = arith.constant 1.000000e+00 : f32
    %add3A_232 = vector.broadcast %add3A_231 : f32 to vector<2048x32xf32>
    %add3A_233 = arith.addf %add3A_232, %tanh3A_230 : vector<2048x32xf32>
    %mul3A_234 = arith.mulf %add3A_174, %tanh3A_191 : vector<2048x32xf32>
    %slice3A_235 = vector.extract_strided_slice %mul3A_213 {offsets = [0, 0], sizes = [2048, 32], strides = [1, 1]} : vector<4096x32xf32> to vector<2048x32xf32>
    %add3A_236 = arith.addf %mul3A_234, %slice3A_235 : vector<2048x32xf32>
    %slice3A_237 = vector.extract_strided_slice %mul3A_213 {offsets = [2048, 0], sizes = [2048, 32], strides = [1, 1]} : vector<4096x32xf32> to vector<2048x32xf32>
    %add3A_238 = arith.addf %add3A_236, %slice3A_237 : vector<2048x32xf32>
    %mul3A_239 = arith.constant 5.000000e-01 : f32
    %mul3A_240 = vector.broadcast %mul3A_239 : f32 to vector<2048x32xf32>
    %mul3A_241 = arith.mulf %mul3A_240, %add3A_238 : vector<2048x32xf32>
    %tanh3A_242 = math.tanh %mul3A_241 : vector<2048x32xf32>
    %mul3A_243 = arith.mulf %add3A_233, %tanh3A_242 : vector<2048x32xf32>
    %reshape3A_244 = vector.shape_cast %mul3A_243 : vector<2048x32xf32> to vector<256x8x32xf32>
    %reduce_sum3A_245 = arith.constant dense<0.000000e+00> : vector<8x32xf32>
    %reduce_sum3A_246 = vector.multi_reduction <add>, %reshape3A_244, %reduce_sum3A_245 [0] : vector<256x8x32xf32> to vector<8x32xf32>
    %add3A_247 = arith.addf %add3A_145, %reduce_sum3A_246 : vector<8x32xf32>
    %get3A_248 = arith.constant 1792 : index
    %get3A_249 = arith.constant 0 : index
    %get3A_250 = arith.constant 0 : index
    %get3A_251 = vector.load %arg1[%get3A_248, %get3A_249, %get3A_250] : memref<2047x8x128xf32, #tpu.memory_space<vmem>>, vector<128x8x128xf32>
    %reshape3A_252 = vector.shape_cast %get3A_251 : vector<128x8x128xf32> to vector<1024x128xf32>
    %convert_element_type3A_253 = arith.truncf %reshape3A_252 : vector<1024x128xf32> to vector<1024x128xbf16>
    %slice3A_254 = vector.extract_strided_slice %mul3A_243 {offsets = [0, 0], sizes = [1024, 32], strides = [1, 1]} : vector<2048x32xf32> to vector<1024x32xf32>
    %slice3A_255 = vector.extract_strided_slice %mul3A_243 {offsets = [1024, 0], sizes = [1024, 32], strides = [1, 1]} : vector<2048x32xf32> to vector<1024x32xf32>
    %add3A_256 = arith.addf %slice3A_254, %slice3A_255 : vector<1024x32xf32>
    %get3A_257 = arith.constant 0 : index
    %get3A_258 = arith.constant 0 : index
    %get3A_259 = vector.load %arg2[%get3A_257, %get3A_258] : memref<128x32xbf16, #tpu.memory_space<vmem>>, vector<128x32xbf16>
    %dot_general3A_260 = arith.constant dense<0.000000e+00> : vector<1024x32xf32>
    %dot_general3A_261 = tpu.matmul %convert_element_type3A_253, %get3A_259, %dot_general3A_260 {dimension_numbers = #tpu.dot_dimension_numbers<[1], [0], [0], [1], [0, 0, 1, 1], [], []>, transpose_lhs_hint = false} : vector<1024x128xbf16>, vector<128x32xbf16>, vector<1024x32xf32> -> vector<1024x32xf32>
    %get3A_262 = arith.constant 0 : index
    %get3A_263 = arith.constant 0 : index
    %get3A_264 = vector.load %arg6[%get3A_262, %get3A_263] : memref<1x32xf32, #tpu.memory_space<vmem>>, vector<1x32xf32>
    %add3A_265 = vector.broadcast %get3A_264 : vector<1x32xf32> to vector<1024x32xf32>
    %add3A_266 = arith.addf %dot_general3A_261, %add3A_265 : vector<1024x32xf32>
    %get3A_267 = arith.constant 0 : index
    %get3A_268 = arith.constant 0 : index
    %get3A_269 = vector.load %arg10[%get3A_267, %get3A_268] : memref<32x32xf32, #tpu.memory_space<vmem>>, vector<32x32xf32>
    %dot_general3A_270 = arith.constant dense<0.000000e+00> : vector<1024x32xf32>
    %dot_general3A_271 = tpu.matmul %add3A_256, %get3A_269, %dot_general3A_270 {dimension_numbers = #tpu.dot_dimension_numbers<[1], [0], [0], [1], [0, 0, 1, 1], [], []>, transpose_lhs_hint = false} : vector<1024x32xf32>, vector<32x32xf32>, vector<1024x32xf32> -> vector<1024x32xf32>
    %add3A_272 = arith.addf %add3A_266, %dot_general3A_271 : vector<1024x32xf32>
    %tanh3A_273 = math.tanh %add3A_272 : vector<1024x32xf32>
    %add3A_274 = arith.constant 1.000000e+00 : f32
    %add3A_275 = vector.broadcast %add3A_274 : f32 to vector<1024x32xf32>
    %add3A_276 = arith.addf %add3A_275, %tanh3A_273 : vector<1024x32xf32>
    %get3A_277 = arith.constant 0 : index
    %get3A_278 = arith.constant 0 : index
    %get3A_279 = vector.load %arg4[%get3A_277, %get3A_278] : memref<128x32xbf16, #tpu.memory_space<vmem>>, vector<128x32xbf16>
    %dot_general3A_280 = arith.constant dense<0.000000e+00> : vector<1024x32xf32>
    %dot_general3A_281 = tpu.matmul %convert_element_type3A_253, %get3A_279, %dot_general3A_280 {dimension_numbers = #tpu.dot_dimension_numbers<[1], [0], [0], [1], [0, 0, 1, 1], [], []>, transpose_lhs_hint = false} : vector<1024x128xbf16>, vector<128x32xbf16>, vector<1024x32xf32> -> vector<1024x32xf32>
    %get3A_282 = arith.constant 0 : index
    %get3A_283 = arith.constant 0 : index
    %get3A_284 = vector.load %arg8[%get3A_282, %get3A_283] : memref<1x32xf32, #tpu.memory_space<vmem>>, vector<1x32xf32>
    %add3A_285 = vector.broadcast %get3A_284 : vector<1x32xf32> to vector<1024x32xf32>
    %add3A_286 = arith.addf %dot_general3A_281, %add3A_285 : vector<1024x32xf32>
    %get3A_287 = arith.constant 0 : index
    %get3A_288 = arith.constant 0 : index
    %get3A_289 = vector.load %arg12[%get3A_287, %get3A_288] : memref<32x32xf32, #tpu.memory_space<vmem>>, vector<32x32xf32>
    %dot_general3A_290 = arith.constant dense<0.000000e+00> : vector<1024x32xf32>
    %dot_general3A_291 = tpu.matmul %add3A_256, %get3A_289, %dot_general3A_290 {dimension_numbers = #tpu.dot_dimension_numbers<[1], [0], [0], [1], [0, 0, 1, 1], [], []>, transpose_lhs_hint = false} : vector<1024x32xf32>, vector<32x32xf32>, vector<1024x32xf32> -> vector<1024x32xf32>
    %add3A_292 = arith.addf %add3A_286, %dot_general3A_291 : vector<1024x32xf32>
    %tanh3A_293 = math.tanh %add3A_292 : vector<1024x32xf32>
    %get3A_294 = arith.constant 0 : index
    %get3A_295 = arith.constant 0 : index
    %get3A_296 = vector.load %arg5[%get3A_294, %get3A_295] : memref<128x32xbf16, #tpu.memory_space<vmem>>, vector<128x32xbf16>
    %dot_general3A_297 = arith.constant dense<0.000000e+00> : vector<1024x32xf32>
    %dot_general3A_298 = tpu.matmul %convert_element_type3A_253, %get3A_296, %dot_general3A_297 {dimension_numbers = #tpu.dot_dimension_numbers<[1], [0], [0], [1], [0, 0, 1, 1], [], []>, transpose_lhs_hint = false} : vector<1024x128xbf16>, vector<128x32xbf16>, vector<1024x32xf32> -> vector<1024x32xf32>
    %get3A_299 = arith.constant 0 : index
    %get3A_300 = arith.constant 0 : index
    %get3A_301 = vector.load %arg9[%get3A_299, %get3A_300] : memref<1x32xf32, #tpu.memory_space<vmem>>, vector<1x32xf32>
    %add3A_302 = vector.broadcast %get3A_301 : vector<1x32xf32> to vector<1024x32xf32>
    %add3A_303 = arith.addf %dot_general3A_298, %add3A_302 : vector<1024x32xf32>
    %concatenate3A_304 = tpu.concatenate %add3A_303, %add3A_303 in 0 : vector<1024x32xf32>, vector<1024x32xf32> -> vector<2048x32xf32>
    %get3A_305 = arith.constant 0 : index
    %get3A_306 = arith.constant 0 : index
    %get3A_307 = vector.load %arg13[%get3A_305, %get3A_306] : memref<32x32xf32, #tpu.memory_space<vmem>>, vector<32x32xf32>
    %dot_general3A_308 = arith.constant dense<0.000000e+00> : vector<2048x32xf32>
    %dot_general3A_309 = tpu.matmul %mul3A_243, %get3A_307, %dot_general3A_308 {dimension_numbers = #tpu.dot_dimension_numbers<[1], [0], [0], [1], [0, 0, 1, 1], [], []>, transpose_lhs_hint = false} : vector<2048x32xf32>, vector<32x32xf32>, vector<2048x32xf32> -> vector<2048x32xf32>
    %add3A_310 = arith.addf %concatenate3A_304, %dot_general3A_309 : vector<2048x32xf32>
    %tanh3A_311 = math.tanh %add3A_310 : vector<2048x32xf32>
    %add3A_312 = arith.constant 1.000000e+00 : f32
    %add3A_313 = vector.broadcast %add3A_312 : f32 to vector<2048x32xf32>
    %add3A_314 = arith.addf %add3A_313, %tanh3A_311 : vector<2048x32xf32>
    %mul3A_315 = arith.mulf %add3A_314, %mul3A_241 : vector<2048x32xf32>
    %get3A_316 = arith.constant 0 : index
    %get3A_317 = arith.constant 0 : index
    %get3A_318 = vector.load %arg3[%get3A_316, %get3A_317] : memref<128x32xbf16, #tpu.memory_space<vmem>>, vector<128x32xbf16>
    %dot_general3A_319 = arith.constant dense<0.000000e+00> : vector<1024x32xf32>
    %dot_general3A_320 = tpu.matmul %convert_element_type3A_253, %get3A_318, %dot_general3A_319 {dimension_numbers = #tpu.dot_dimension_numbers<[1], [0], [0], [1], [0, 0, 1, 1], [], []>, transpose_lhs_hint = false} : vector<1024x128xbf16>, vector<128x32xbf16>, vector<1024x32xf32> -> vector<1024x32xf32>
    %get3A_321 = arith.constant 0 : index
    %get3A_322 = arith.constant 0 : index
    %get3A_323 = vector.load %arg7[%get3A_321, %get3A_322] : memref<1x32xf32, #tpu.memory_space<vmem>>, vector<1x32xf32>
    %add3A_324 = vector.broadcast %get3A_323 : vector<1x32xf32> to vector<1024x32xf32>
    %add3A_325 = arith.addf %dot_general3A_320, %add3A_324 : vector<1024x32xf32>
    %get3A_326 = arith.constant 0 : index
    %get3A_327 = arith.constant 0 : index
    %get3A_328 = vector.load %arg11[%get3A_326, %get3A_327] : memref<32x32xf32, #tpu.memory_space<vmem>>, vector<32x32xf32>
    %dot_general3A_329 = arith.constant dense<0.000000e+00> : vector<1024x32xf32>
    %dot_general3A_330 = tpu.matmul %add3A_256, %get3A_328, %dot_general3A_329 {dimension_numbers = #tpu.dot_dimension_numbers<[1], [0], [0], [1], [0, 0, 1, 1], [], []>, transpose_lhs_hint = false} : vector<1024x32xf32>, vector<32x32xf32>, vector<1024x32xf32> -> vector<1024x32xf32>
    %add3A_331 = arith.addf %add3A_325, %dot_general3A_330 : vector<1024x32xf32>
    %tanh3A_332 = math.tanh %add3A_331 : vector<1024x32xf32>
    %add3A_333 = arith.constant 1.000000e+00 : f32
    %add3A_334 = vector.broadcast %add3A_333 : f32 to vector<1024x32xf32>
    %add3A_335 = arith.addf %add3A_334, %tanh3A_332 : vector<1024x32xf32>
    %mul3A_336 = arith.mulf %add3A_276, %tanh3A_293 : vector<1024x32xf32>
    %slice3A_337 = vector.extract_strided_slice %mul3A_315 {offsets = [0, 0], sizes = [1024, 32], strides = [1, 1]} : vector<2048x32xf32> to vector<1024x32xf32>
    %add3A_338 = arith.addf %mul3A_336, %slice3A_337 : vector<1024x32xf32>
    %slice3A_339 = vector.extract_strided_slice %mul3A_315 {offsets = [1024, 0], sizes = [1024, 32], strides = [1, 1]} : vector<2048x32xf32> to vector<1024x32xf32>
    %add3A_340 = arith.addf %add3A_338, %slice3A_339 : vector<1024x32xf32>
    %mul3A_341 = arith.constant 5.000000e-01 : f32
    %mul3A_342 = vector.broadcast %mul3A_341 : f32 to vector<1024x32xf32>
    %mul3A_343 = arith.mulf %mul3A_342, %add3A_340 : vector<1024x32xf32>
    %tanh3A_344 = math.tanh %mul3A_343 : vector<1024x32xf32>
    %mul3A_345 = arith.mulf %add3A_335, %tanh3A_344 : vector<1024x32xf32>
    %reshape3A_346 = vector.shape_cast %mul3A_345 : vector<1024x32xf32> to vector<128x8x32xf32>
    %reduce_sum3A_347 = arith.constant dense<0.000000e+00> : vector<8x32xf32>
    %reduce_sum3A_348 = vector.multi_reduction <add>, %reshape3A_346, %reduce_sum3A_347 [0] : vector<128x8x32xf32> to vector<8x32xf32>
    %add3A_349 = arith.addf %add3A_247, %reduce_sum3A_348 : vector<8x32xf32>
    %get3A_350 = arith.constant 1920 : index
    %get3A_351 = arith.constant 0 : index
    %get3A_352 = arith.constant 0 : index
    %get3A_353 = vector.load %arg1[%get3A_350, %get3A_351, %get3A_352] : memref<2047x8x128xf32, #tpu.memory_space<vmem>>, vector<64x8x128xf32>
    %reshape3A_354 = vector.shape_cast %get3A_353 : vector<64x8x128xf32> to vector<512x128xf32>
    %convert_element_type3A_355 = arith.truncf %reshape3A_354 : vector<512x128xf32> to vector<512x128xbf16>
    %slice3A_356 = vector.extract_strided_slice %mul3A_345 {offsets = [0, 0], sizes = [512, 32], strides = [1, 1]} : vector<1024x32xf32> to vector<512x32xf32>
    %slice3A_357 = vector.extract_strided_slice %mul3A_345 {offsets = [512, 0], sizes = [512, 32], strides = [1, 1]} : vector<1024x32xf32> to vector<512x32xf32>
    %add3A_358 = arith.addf %slice3A_356, %slice3A_357 : vector<512x32xf32>
    %get3A_359 = arith.constant 0 : index
    %get3A_360 = arith.constant 0 : index
    %get3A_361 = vector.load %arg2[%get3A_359, %get3A_360] : memref<128x32xbf16, #tpu.memory_space<vmem>>, vector<128x32xbf16>
    %dot_general3A_362 = arith.constant dense<0.000000e+00> : vector<512x32xf32>
    %dot_general3A_363 = tpu.matmul %convert_element_type3A_355, %get3A_361, %dot_general3A_362 {dimension_numbers = #tpu.dot_dimension_numbers<[1], [0], [0], [1], [0, 0, 1, 1], [], []>, transpose_lhs_hint = false} : vector<512x128xbf16>, vector<128x32xbf16>, vector<512x32xf32> -> vector<512x32xf32>
    %get3A_364 = arith.constant 0 : index
    %get3A_365 = arith.constant 0 : index
    %get3A_366 = vector.load %arg6[%get3A_364, %get3A_365] : memref<1x32xf32, #tpu.memory_space<vmem>>, vector<1x32xf32>
    %add3A_367 = vector.broadcast %get3A_366 : vector<1x32xf32> to vector<512x32xf32>
    %add3A_368 = arith.addf %dot_general3A_363, %add3A_367 : vector<512x32xf32>
    %get3A_369 = arith.constant 0 : index
    %get3A_370 = arith.constant 0 : index
    %get3A_371 = vector.load %arg10[%get3A_369, %get3A_370] : memref<32x32xf32, #tpu.memory_space<vmem>>, vector<32x32xf32>
    %dot_general3A_372 = arith.constant dense<0.000000e+00> : vector<512x32xf32>
    %dot_general3A_373 = tpu.matmul %add3A_358, %get3A_371, %dot_general3A_372 {dimension_numbers = #tpu.dot_dimension_numbers<[1], [0], [0], [1], [0, 0, 1, 1], [], []>, transpose_lhs_hint = false} : vector<512x32xf32>, vector<32x32xf32>, vector<512x32xf32> -> vector<512x32xf32>
    %add3A_374 = arith.addf %add3A_368, %dot_general3A_373 : vector<512x32xf32>
    %tanh3A_375 = math.tanh %add3A_374 : vector<512x32xf32>
    %add3A_376 = arith.constant 1.000000e+00 : f32
    %add3A_377 = vector.broadcast %add3A_376 : f32 to vector<512x32xf32>
    %add3A_378 = arith.addf %add3A_377, %tanh3A_375 : vector<512x32xf32>
    %get3A_379 = arith.constant 0 : index
    %get3A_380 = arith.constant 0 : index
    %get3A_381 = vector.load %arg4[%get3A_379, %get3A_380] : memref<128x32xbf16, #tpu.memory_space<vmem>>, vector<128x32xbf16>
    %dot_general3A_382 = arith.constant dense<0.000000e+00> : vector<512x32xf32>
    %dot_general3A_383 = tpu.matmul %convert_element_type3A_355, %get3A_381, %dot_general3A_382 {dimension_numbers = #tpu.dot_dimension_numbers<[1], [0], [0], [1], [0, 0, 1, 1], [], []>, transpose_lhs_hint = false} : vector<512x128xbf16>, vector<128x32xbf16>, vector<512x32xf32> -> vector<512x32xf32>
    %get3A_384 = arith.constant 0 : index
    %get3A_385 = arith.constant 0 : index
    %get3A_386 = vector.load %arg8[%get3A_384, %get3A_385] : memref<1x32xf32, #tpu.memory_space<vmem>>, vector<1x32xf32>
    %add3A_387 = vector.broadcast %get3A_386 : vector<1x32xf32> to vector<512x32xf32>
    %add3A_388 = arith.addf %dot_general3A_383, %add3A_387 : vector<512x32xf32>
    %get3A_389 = arith.constant 0 : index
    %get3A_390 = arith.constant 0 : index
    %get3A_391 = vector.load %arg12[%get3A_389, %get3A_390] : memref<32x32xf32, #tpu.memory_space<vmem>>, vector<32x32xf32>
    %dot_general3A_392 = arith.constant dense<0.000000e+00> : vector<512x32xf32>
    %dot_general3A_393 = tpu.matmul %add3A_358, %get3A_391, %dot_general3A_392 {dimension_numbers = #tpu.dot_dimension_numbers<[1], [0], [0], [1], [0, 0, 1, 1], [], []>, transpose_lhs_hint = false} : vector<512x32xf32>, vector<32x32xf32>, vector<512x32xf32> -> vector<512x32xf32>
    %add3A_394 = arith.addf %add3A_388, %dot_general3A_393 : vector<512x32xf32>
    %tanh3A_395 = math.tanh %add3A_394 : vector<512x32xf32>
    %get3A_396 = arith.constant 0 : index
    %get3A_397 = arith.constant 0 : index
    %get3A_398 = vector.load %arg5[%get3A_396, %get3A_397] : memref<128x32xbf16, #tpu.memory_space<vmem>>, vector<128x32xbf16>
    %dot_general3A_399 = arith.constant dense<0.000000e+00> : vector<512x32xf32>
    %dot_general3A_400 = tpu.matmul %convert_element_type3A_355, %get3A_398, %dot_general3A_399 {dimension_numbers = #tpu.dot_dimension_numbers<[1], [0], [0], [1], [0, 0, 1, 1], [], []>, transpose_lhs_hint = false} : vector<512x128xbf16>, vector<128x32xbf16>, vector<512x32xf32> -> vector<512x32xf32>
    %get3A_401 = arith.constant 0 : index
    %get3A_402 = arith.constant 0 : index
    %get3A_403 = vector.load %arg9[%get3A_401, %get3A_402] : memref<1x32xf32, #tpu.memory_space<vmem>>, vector<1x32xf32>
    %add3A_404 = vector.broadcast %get3A_403 : vector<1x32xf32> to vector<512x32xf32>
    %add3A_405 = arith.addf %dot_general3A_400, %add3A_404 : vector<512x32xf32>
    %concatenate3A_406 = tpu.concatenate %add3A_405, %add3A_405 in 0 : vector<512x32xf32>, vector<512x32xf32> -> vector<1024x32xf32>
    %get3A_407 = arith.constant 0 : index
    %get3A_408 = arith.constant 0 : index
    %get3A_409 = vector.load %arg13[%get3A_407, %get3A_408] : memref<32x32xf32, #tpu.memory_space<vmem>>, vector<32x32xf32>
    %dot_general3A_410 = arith.constant dense<0.000000e+00> : vector<1024x32xf32>
    %dot_general3A_411 = tpu.matmul %mul3A_345, %get3A_409, %dot_general3A_410 {dimension_numbers = #tpu.dot_dimension_numbers<[1], [0], [0], [1], [0, 0, 1, 1], [], []>, transpose_lhs_hint = false} : vector<1024x32xf32>, vector<32x32xf32>, vector<1024x32xf32> -> vector<1024x32xf32>
    %add3A_412 = arith.addf %concatenate3A_406, %dot_general3A_411 : vector<1024x32xf32>
    %tanh3A_413 = math.tanh %add3A_412 : vector<1024x32xf32>
    %add3A_414 = arith.constant 1.000000e+00 : f32
    %add3A_415 = vector.broadcast %add3A_414 : f32 to vector<1024x32xf32>
    %add3A_416 = arith.addf %add3A_415, %tanh3A_413 : vector<1024x32xf32>
    %mul3A_417 = arith.mulf %add3A_416, %mul3A_343 : vector<1024x32xf32>
    %get3A_418 = arith.constant 0 : index
    %get3A_419 = arith.constant 0 : index
    %get3A_420 = vector.load %arg3[%get3A_418, %get3A_419] : memref<128x32xbf16, #tpu.memory_space<vmem>>, vector<128x32xbf16>
    %dot_general3A_421 = arith.constant dense<0.000000e+00> : vector<512x32xf32>
    %dot_general3A_422 = tpu.matmul %convert_element_type3A_355, %get3A_420, %dot_general3A_421 {dimension_numbers = #tpu.dot_dimension_numbers<[1], [0], [0], [1], [0, 0, 1, 1], [], []>, transpose_lhs_hint = false} : vector<512x128xbf16>, vector<128x32xbf16>, vector<512x32xf32> -> vector<512x32xf32>
    %get3A_423 = arith.constant 0 : index
    %get3A_424 = arith.constant 0 : index
    %get3A_425 = vector.load %arg7[%get3A_423, %get3A_424] : memref<1x32xf32, #tpu.memory_space<vmem>>, vector<1x32xf32>
    %add3A_426 = vector.broadcast %get3A_425 : vector<1x32xf32> to vector<512x32xf32>
    %add3A_427 = arith.addf %dot_general3A_422, %add3A_426 : vector<512x32xf32>
    %get3A_428 = arith.constant 0 : index
    %get3A_429 = arith.constant 0 : index
    %get3A_430 = vector.load %arg11[%get3A_428, %get3A_429] : memref<32x32xf32, #tpu.memory_space<vmem>>, vector<32x32xf32>
    %dot_general3A_431 = arith.constant dense<0.000000e+00> : vector<512x32xf32>
    %dot_general3A_432 = tpu.matmul %add3A_358, %get3A_430, %dot_general3A_431 {dimension_numbers = #tpu.dot_dimension_numbers<[1], [0], [0], [1], [0, 0, 1, 1], [], []>, transpose_lhs_hint = false} : vector<512x32xf32>, vector<32x32xf32>, vector<512x32xf32> -> vector<512x32xf32>
    %add3A_433 = arith.addf %add3A_427, %dot_general3A_432 : vector<512x32xf32>
    %tanh3A_434 = math.tanh %add3A_433 : vector<512x32xf32>
    %add3A_435 = arith.constant 1.000000e+00 : f32
    %add3A_436 = vector.broadcast %add3A_435 : f32 to vector<512x32xf32>
    %add3A_437 = arith.addf %add3A_436, %tanh3A_434 : vector<512x32xf32>
    %mul3A_438 = arith.mulf %add3A_378, %tanh3A_395 : vector<512x32xf32>
    %slice3A_439 = vector.extract_strided_slice %mul3A_417 {offsets = [0, 0], sizes = [512, 32], strides = [1, 1]} : vector<1024x32xf32> to vector<512x32xf32>
    %add3A_440 = arith.addf %mul3A_438, %slice3A_439 : vector<512x32xf32>
    %slice3A_441 = vector.extract_strided_slice %mul3A_417 {offsets = [512, 0], sizes = [512, 32], strides = [1, 1]} : vector<1024x32xf32> to vector<512x32xf32>
    %add3A_442 = arith.addf %add3A_440, %slice3A_441 : vector<512x32xf32>
    %mul3A_443 = arith.constant 5.000000e-01 : f32
    %mul3A_444 = vector.broadcast %mul3A_443 : f32 to vector<512x32xf32>
    %mul3A_445 = arith.mulf %mul3A_444, %add3A_442 : vector<512x32xf32>
    %tanh3A_446 = math.tanh %mul3A_445 : vector<512x32xf32>
    %mul3A_447 = arith.mulf %add3A_437, %tanh3A_446 : vector<512x32xf32>
    %reshape3A_448 = vector.shape_cast %mul3A_447 : vector<512x32xf32> to vector<64x8x32xf32>
    %reduce_sum3A_449 = arith.constant dense<0.000000e+00> : vector<8x32xf32>
    %reduce_sum3A_450 = vector.multi_reduction <add>, %reshape3A_448, %reduce_sum3A_449 [0] : vector<64x8x32xf32> to vector<8x32xf32>
    %add3A_451 = arith.addf %add3A_349, %reduce_sum3A_450 : vector<8x32xf32>
    %get3A_452 = arith.constant 1984 : index
    %get3A_453 = arith.constant 0 : index
    %get3A_454 = arith.constant 0 : index
    %get3A_455 = vector.load %arg1[%get3A_452, %get3A_453, %get3A_454] : memref<2047x8x128xf32, #tpu.memory_space<vmem>>, vector<32x8x128xf32>
    %reshape3A_456 = vector.shape_cast %get3A_455 : vector<32x8x128xf32> to vector<256x128xf32>
    %convert_element_type3A_457 = arith.truncf %reshape3A_456 : vector<256x128xf32> to vector<256x128xbf16>
    %slice3A_458 = vector.extract_strided_slice %mul3A_447 {offsets = [0, 0], sizes = [256, 32], strides = [1, 1]} : vector<512x32xf32> to vector<256x32xf32>
    %slice3A_459 = vector.extract_strided_slice %mul3A_447 {offsets = [256, 0], sizes = [256, 32], strides = [1, 1]} : vector<512x32xf32> to vector<256x32xf32>
    %add3A_460 = arith.addf %slice3A_458, %slice3A_459 : vector<256x32xf32>
    %get3A_461 = arith.constant 0 : index
    %get3A_462 = arith.constant 0 : index
    %get3A_463 = vector.load %arg2[%get3A_461, %get3A_462] : memref<128x32xbf16, #tpu.memory_space<vmem>>, vector<128x32xbf16>
    %dot_general3A_464 = arith.constant dense<0.000000e+00> : vector<256x32xf32>
    %dot_general3A_465 = tpu.matmul %convert_element_type3A_457, %get3A_463, %dot_general3A_464 {dimension_numbers = #tpu.dot_dimension_numbers<[1], [0], [0], [1], [0, 0, 1, 1], [], []>, transpose_lhs_hint = false} : vector<256x128xbf16>, vector<128x32xbf16>, vector<256x32xf32> -> vector<256x32xf32>
    %get3A_466 = arith.constant 0 : index
    %get3A_467 = arith.constant 0 : index
    %get3A_468 = vector.load %arg6[%get3A_466, %get3A_467] : memref<1x32xf32, #tpu.memory_space<vmem>>, vector<1x32xf32>
    %add3A_469 = vector.broadcast %get3A_468 : vector<1x32xf32> to vector<256x32xf32>
    %add3A_470 = arith.addf %dot_general3A_465, %add3A_469 : vector<256x32xf32>
    %get3A_471 = arith.constant 0 : index
    %get3A_472 = arith.constant 0 : index
    %get3A_473 = vector.load %arg10[%get3A_471, %get3A_472] : memref<32x32xf32, #tpu.memory_space<vmem>>, vector<32x32xf32>
    %dot_general3A_474 = arith.constant dense<0.000000e+00> : vector<256x32xf32>
    %dot_general3A_475 = tpu.matmul %add3A_460, %get3A_473, %dot_general3A_474 {dimension_numbers = #tpu.dot_dimension_numbers<[1], [0], [0], [1], [0, 0, 1, 1], [], []>, transpose_lhs_hint = false} : vector<256x32xf32>, vector<32x32xf32>, vector<256x32xf32> -> vector<256x32xf32>
    %add3A_476 = arith.addf %add3A_470, %dot_general3A_475 : vector<256x32xf32>
    %tanh3A_477 = math.tanh %add3A_476 : vector<256x32xf32>
    %add3A_478 = arith.constant 1.000000e+00 : f32
    %add3A_479 = vector.broadcast %add3A_478 : f32 to vector<256x32xf32>
    %add3A_480 = arith.addf %add3A_479, %tanh3A_477 : vector<256x32xf32>
    %get3A_481 = arith.constant 0 : index
    %get3A_482 = arith.constant 0 : index
    %get3A_483 = vector.load %arg4[%get3A_481, %get3A_482] : memref<128x32xbf16, #tpu.memory_space<vmem>>, vector<128x32xbf16>
    %dot_general3A_484 = arith.constant dense<0.000000e+00> : vector<256x32xf32>
    %dot_general3A_485 = tpu.matmul %convert_element_type3A_457, %get3A_483, %dot_general3A_484 {dimension_numbers = #tpu.dot_dimension_numbers<[1], [0], [0], [1], [0, 0, 1, 1], [], []>, transpose_lhs_hint = false} : vector<256x128xbf16>, vector<128x32xbf16>, vector<256x32xf32> -> vector<256x32xf32>
    %get3A_486 = arith.constant 0 : index
    %get3A_487 = arith.constant 0 : index
    %get3A_488 = vector.load %arg8[%get3A_486, %get3A_487] : memref<1x32xf32, #tpu.memory_space<vmem>>, vector<1x32xf32>
    %add3A_489 = vector.broadcast %get3A_488 : vector<1x32xf32> to vector<256x32xf32>
    %add3A_490 = arith.addf %dot_general3A_485, %add3A_489 : vector<256x32xf32>
    %get3A_491 = arith.constant 0 : index
    %get3A_492 = arith.constant 0 : index
    %get3A_493 = vector.load %arg12[%get3A_491, %get3A_492] : memref<32x32xf32, #tpu.memory_space<vmem>>, vector<32x32xf32>
    %dot_general3A_494 = arith.constant dense<0.000000e+00> : vector<256x32xf32>
    %dot_general3A_495 = tpu.matmul %add3A_460, %get3A_493, %dot_general3A_494 {dimension_numbers = #tpu.dot_dimension_numbers<[1], [0], [0], [1], [0, 0, 1, 1], [], []>, transpose_lhs_hint = false} : vector<256x32xf32>, vector<32x32xf32>, vector<256x32xf32> -> vector<256x32xf32>
    %add3A_496 = arith.addf %add3A_490, %dot_general3A_495 : vector<256x32xf32>
    %tanh3A_497 = math.tanh %add3A_496 : vector<256x32xf32>
    %get3A_498 = arith.constant 0 : index
    %get3A_499 = arith.constant 0 : index
    %get3A_500 = vector.load %arg5[%get3A_498, %get3A_499] : memref<128x32xbf16, #tpu.memory_space<vmem>>, vector<128x32xbf16>
    %dot_general3A_501 = arith.constant dense<0.000000e+00> : vector<256x32xf32>
    %dot_general3A_502 = tpu.matmul %convert_element_type3A_457, %get3A_500, %dot_general3A_501 {dimension_numbers = #tpu.dot_dimension_numbers<[1], [0], [0], [1], [0, 0, 1, 1], [], []>, transpose_lhs_hint = false} : vector<256x128xbf16>, vector<128x32xbf16>, vector<256x32xf32> -> vector<256x32xf32>
    %get3A_503 = arith.constant 0 : index
    %get3A_504 = arith.constant 0 : index
    %get3A_505 = vector.load %arg9[%get3A_503, %get3A_504] : memref<1x32xf32, #tpu.memory_space<vmem>>, vector<1x32xf32>
    %add3A_506 = vector.broadcast %get3A_505 : vector<1x32xf32> to vector<256x32xf32>
    %add3A_507 = arith.addf %dot_general3A_502, %add3A_506 : vector<256x32xf32>
    %concatenate3A_508 = tpu.concatenate %add3A_507, %add3A_507 in 0 : vector<256x32xf32>, vector<256x32xf32> -> vector<512x32xf32>
    %get3A_509 = arith.constant 0 : index
    %get3A_510 = arith.constant 0 : index
    %get3A_511 = vector.load %arg13[%get3A_509, %get3A_510] : memref<32x32xf32, #tpu.memory_space<vmem>>, vector<32x32xf32>
    %dot_general3A_512 = arith.constant dense<0.000000e+00> : vector<512x32xf32>
    %dot_general3A_513 = tpu.matmul %mul3A_447, %get3A_511, %dot_general3A_512 {dimension_numbers = #tpu.dot_dimension_numbers<[1], [0], [0], [1], [0, 0, 1, 1], [], []>, transpose_lhs_hint = false} : vector<512x32xf32>, vector<32x32xf32>, vector<512x32xf32> -> vector<512x32xf32>
    %add3A_514 = arith.addf %concatenate3A_508, %dot_general3A_513 : vector<512x32xf32>
    %tanh3A_515 = math.tanh %add3A_514 : vector<512x32xf32>
    %add3A_516 = arith.constant 1.000000e+00 : f32
    %add3A_517 = vector.broadcast %add3A_516 : f32 to vector<512x32xf32>
    %add3A_518 = arith.addf %add3A_517, %tanh3A_515 : vector<512x32xf32>
    %mul3A_519 = arith.mulf %add3A_518, %mul3A_445 : vector<512x32xf32>
    %get3A_520 = arith.constant 0 : index
    %get3A_521 = arith.constant 0 : index
    %get3A_522 = vector.load %arg3[%get3A_520, %get3A_521] : memref<128x32xbf16, #tpu.memory_space<vmem>>, vector<128x32xbf16>
    %dot_general3A_523 = arith.constant dense<0.000000e+00> : vector<256x32xf32>
    %dot_general3A_524 = tpu.matmul %convert_element_type3A_457, %get3A_522, %dot_general3A_523 {dimension_numbers = #tpu.dot_dimension_numbers<[1], [0], [0], [1], [0, 0, 1, 1], [], []>, transpose_lhs_hint = false} : vector<256x128xbf16>, vector<128x32xbf16>, vector<256x32xf32> -> vector<256x32xf32>
    %get3A_525 = arith.constant 0 : index
    %get3A_526 = arith.constant 0 : index
    %get3A_527 = vector.load %arg7[%get3A_525, %get3A_526] : memref<1x32xf32, #tpu.memory_space<vmem>>, vector<1x32xf32>
    %add3A_528 = vector.broadcast %get3A_527 : vector<1x32xf32> to vector<256x32xf32>
    %add3A_529 = arith.addf %dot_general3A_524, %add3A_528 : vector<256x32xf32>
    %get3A_530 = arith.constant 0 : index
    %get3A_531 = arith.constant 0 : index
    %get3A_532 = vector.load %arg11[%get3A_530, %get3A_531] : memref<32x32xf32, #tpu.memory_space<vmem>>, vector<32x32xf32>
    %dot_general3A_533 = arith.constant dense<0.000000e+00> : vector<256x32xf32>
    %dot_general3A_534 = tpu.matmul %add3A_460, %get3A_532, %dot_general3A_533 {dimension_numbers = #tpu.dot_dimension_numbers<[1], [0], [0], [1], [0, 0, 1, 1], [], []>, transpose_lhs_hint = false} : vector<256x32xf32>, vector<32x32xf32>, vector<256x32xf32> -> vector<256x32xf32>
    %add3A_535 = arith.addf %add3A_529, %dot_general3A_534 : vector<256x32xf32>
    %tanh3A_536 = math.tanh %add3A_535 : vector<256x32xf32>
    %add3A_537 = arith.constant 1.000000e+00 : f32
    %add3A_538 = vector.broadcast %add3A_537 : f32 to vector<256x32xf32>
    %add3A_539 = arith.addf %add3A_538, %tanh3A_536 : vector<256x32xf32>
    %mul3A_540 = arith.mulf %add3A_480, %tanh3A_497 : vector<256x32xf32>
    %slice3A_541 = vector.extract_strided_slice %mul3A_519 {offsets = [0, 0], sizes = [256, 32], strides = [1, 1]} : vector<512x32xf32> to vector<256x32xf32>
    %add3A_542 = arith.addf %mul3A_540, %slice3A_541 : vector<256x32xf32>
    %slice3A_543 = vector.extract_strided_slice %mul3A_519 {offsets = [256, 0], sizes = [256, 32], strides = [1, 1]} : vector<512x32xf32> to vector<256x32xf32>
    %add3A_544 = arith.addf %add3A_542, %slice3A_543 : vector<256x32xf32>
    %mul3A_545 = arith.constant 5.000000e-01 : f32
    %mul3A_546 = vector.broadcast %mul3A_545 : f32 to vector<256x32xf32>
    %mul3A_547 = arith.mulf %mul3A_546, %add3A_544 : vector<256x32xf32>
    %tanh3A_548 = math.tanh %mul3A_547 : vector<256x32xf32>
    %mul3A_549 = arith.mulf %add3A_539, %tanh3A_548 : vector<256x32xf32>
    %reshape3A_550 = vector.shape_cast %mul3A_549 : vector<256x32xf32> to vector<32x8x32xf32>
    %reduce_sum3A_551 = arith.constant dense<0.000000e+00> : vector<8x32xf32>
    %reduce_sum3A_552 = vector.multi_reduction <add>, %reshape3A_550, %reduce_sum3A_551 [0] : vector<32x8x32xf32> to vector<8x32xf32>
    %add3A_553 = arith.addf %add3A_451, %reduce_sum3A_552 : vector<8x32xf32>
    %get3A_554 = arith.constant 2016 : index
    %get3A_555 = arith.constant 0 : index
    %get3A_556 = arith.constant 0 : index
    %get3A_557 = vector.load %arg1[%get3A_554, %get3A_555, %get3A_556] : memref<2047x8x128xf32, #tpu.memory_space<vmem>>, vector<16x8x128xf32>
    %reshape3A_558 = vector.shape_cast %get3A_557 : vector<16x8x128xf32> to vector<128x128xf32>
    %convert_element_type3A_559 = arith.truncf %reshape3A_558 : vector<128x128xf32> to vector<128x128xbf16>
    %slice3A_560 = vector.extract_strided_slice %mul3A_549 {offsets = [0, 0], sizes = [128, 32], strides = [1, 1]} : vector<256x32xf32> to vector<128x32xf32>
    %slice3A_561 = vector.extract_strided_slice %mul3A_549 {offsets = [128, 0], sizes = [128, 32], strides = [1, 1]} : vector<256x32xf32> to vector<128x32xf32>
    %add3A_562 = arith.addf %slice3A_560, %slice3A_561 : vector<128x32xf32>
    %get3A_563 = arith.constant 0 : index
    %get3A_564 = arith.constant 0 : index
    %get3A_565 = vector.load %arg2[%get3A_563, %get3A_564] : memref<128x32xbf16, #tpu.memory_space<vmem>>, vector<128x32xbf16>
    %dot_general3A_566 = arith.constant dense<0.000000e+00> : vector<128x32xf32>
    %dot_general3A_567 = tpu.matmul %convert_element_type3A_559, %get3A_565, %dot_general3A_566 {dimension_numbers = #tpu.dot_dimension_numbers<[1], [0], [0], [1], [0, 0, 1, 1], [], []>, transpose_lhs_hint = false} : vector<128x128xbf16>, vector<128x32xbf16>, vector<128x32xf32> -> vector<128x32xf32>
    %get3A_568 = arith.constant 0 : index
    %get3A_569 = arith.constant 0 : index
    %get3A_570 = vector.load %arg6[%get3A_568, %get3A_569] : memref<1x32xf32, #tpu.memory_space<vmem>>, vector<1x32xf32>
    %add3A_571 = vector.broadcast %get3A_570 : vector<1x32xf32> to vector<128x32xf32>
    %add3A_572 = arith.addf %dot_general3A_567, %add3A_571 : vector<128x32xf32>
    %get3A_573 = arith.constant 0 : index
    %get3A_574 = arith.constant 0 : index
    %get3A_575 = vector.load %arg10[%get3A_573, %get3A_574] : memref<32x32xf32, #tpu.memory_space<vmem>>, vector<32x32xf32>
    %dot_general3A_576 = arith.constant dense<0.000000e+00> : vector<128x32xf32>
    %dot_general3A_577 = tpu.matmul %add3A_562, %get3A_575, %dot_general3A_576 {dimension_numbers = #tpu.dot_dimension_numbers<[1], [0], [0], [1], [0, 0, 1, 1], [], []>, transpose_lhs_hint = false} : vector<128x32xf32>, vector<32x32xf32>, vector<128x32xf32> -> vector<128x32xf32>
    %add3A_578 = arith.addf %add3A_572, %dot_general3A_577 : vector<128x32xf32>
    %tanh3A_579 = math.tanh %add3A_578 : vector<128x32xf32>
    %add3A_580 = arith.constant 1.000000e+00 : f32
    %add3A_581 = vector.broadcast %add3A_580 : f32 to vector<128x32xf32>
    %add3A_582 = arith.addf %add3A_581, %tanh3A_579 : vector<128x32xf32>
    %get3A_583 = arith.constant 0 : index
    %get3A_584 = arith.constant 0 : index
    %get3A_585 = vector.load %arg4[%get3A_583, %get3A_584] : memref<128x32xbf16, #tpu.memory_space<vmem>>, vector<128x32xbf16>
    %dot_general3A_586 = arith.constant dense<0.000000e+00> : vector<128x32xf32>
    %dot_general3A_587 = tpu.matmul %convert_element_type3A_559, %get3A_585, %dot_general3A_586 {dimension_numbers = #tpu.dot_dimension_numbers<[1], [0], [0], [1], [0, 0, 1, 1], [], []>, transpose_lhs_hint = false} : vector<128x128xbf16>, vector<128x32xbf16>, vector<128x32xf32> -> vector<128x32xf32>
    %get3A_588 = arith.constant 0 : index
    %get3A_589 = arith.constant 0 : index
    %get3A_590 = vector.load %arg8[%get3A_588, %get3A_589] : memref<1x32xf32, #tpu.memory_space<vmem>>, vector<1x32xf32>
    %add3A_591 = vector.broadcast %get3A_590 : vector<1x32xf32> to vector<128x32xf32>
    %add3A_592 = arith.addf %dot_general3A_587, %add3A_591 : vector<128x32xf32>
    %get3A_593 = arith.constant 0 : index
    %get3A_594 = arith.constant 0 : index
    %get3A_595 = vector.load %arg12[%get3A_593, %get3A_594] : memref<32x32xf32, #tpu.memory_space<vmem>>, vector<32x32xf32>
    %dot_general3A_596 = arith.constant dense<0.000000e+00> : vector<128x32xf32>
    %dot_general3A_597 = tpu.matmul %add3A_562, %get3A_595, %dot_general3A_596 {dimension_numbers = #tpu.dot_dimension_numbers<[1], [0], [0], [1], [0, 0, 1, 1], [], []>, transpose_lhs_hint = false} : vector<128x32xf32>, vector<32x32xf32>, vector<128x32xf32> -> vector<128x32xf32>
    %add3A_598 = arith.addf %add3A_592, %dot_general3A_597 : vector<128x32xf32>
    %tanh3A_599 = math.tanh %add3A_598 : vector<128x32xf32>
    %get3A_600 = arith.constant 0 : index
    %get3A_601 = arith.constant 0 : index
    %get3A_602 = vector.load %arg5[%get3A_600, %get3A_601] : memref<128x32xbf16, #tpu.memory_space<vmem>>, vector<128x32xbf16>
    %dot_general3A_603 = arith.constant dense<0.000000e+00> : vector<128x32xf32>
    %dot_general3A_604 = tpu.matmul %convert_element_type3A_559, %get3A_602, %dot_general3A_603 {dimension_numbers = #tpu.dot_dimension_numbers<[1], [0], [0], [1], [0, 0, 1, 1], [], []>, transpose_lhs_hint = false} : vector<128x128xbf16>, vector<128x32xbf16>, vector<128x32xf32> -> vector<128x32xf32>
    %get3A_605 = arith.constant 0 : index
    %get3A_606 = arith.constant 0 : index
    %get3A_607 = vector.load %arg9[%get3A_605, %get3A_606] : memref<1x32xf32, #tpu.memory_space<vmem>>, vector<1x32xf32>
    %add3A_608 = vector.broadcast %get3A_607 : vector<1x32xf32> to vector<128x32xf32>
    %add3A_609 = arith.addf %dot_general3A_604, %add3A_608 : vector<128x32xf32>
    %concatenate3A_610 = tpu.concatenate %add3A_609, %add3A_609 in 0 : vector<128x32xf32>, vector<128x32xf32> -> vector<256x32xf32>
    %get3A_611 = arith.constant 0 : index
    %get3A_612 = arith.constant 0 : index
    %get3A_613 = vector.load %arg13[%get3A_611, %get3A_612] : memref<32x32xf32, #tpu.memory_space<vmem>>, vector<32x32xf32>
    %dot_general3A_614 = arith.constant dense<0.000000e+00> : vector<256x32xf32>
    %dot_general3A_615 = tpu.matmul %mul3A_549, %get3A_613, %dot_general3A_614 {dimension_numbers = #tpu.dot_dimension_numbers<[1], [0], [0], [1], [0, 0, 1, 1], [], []>, transpose_lhs_hint = false} : vector<256x32xf32>, vector<32x32xf32>, vector<256x32xf32> -> vector<256x32xf32>
    %add3A_616 = arith.addf %concatenate3A_610, %dot_general3A_615 : vector<256x32xf32>
    %tanh3A_617 = math.tanh %add3A_616 : vector<256x32xf32>
    %add3A_618 = arith.constant 1.000000e+00 : f32
    %add3A_619 = vector.broadcast %add3A_618 : f32 to vector<256x32xf32>
    %add3A_620 = arith.addf %add3A_619, %tanh3A_617 : vector<256x32xf32>
    %mul3A_621 = arith.mulf %add3A_620, %mul3A_547 : vector<256x32xf32>
    %get3A_622 = arith.constant 0 : index
    %get3A_623 = arith.constant 0 : index
    %get3A_624 = vector.load %arg3[%get3A_622, %get3A_623] : memref<128x32xbf16, #tpu.memory_space<vmem>>, vector<128x32xbf16>
    %dot_general3A_625 = arith.constant dense<0.000000e+00> : vector<128x32xf32>
    %dot_general3A_626 = tpu.matmul %convert_element_type3A_559, %get3A_624, %dot_general3A_625 {dimension_numbers = #tpu.dot_dimension_numbers<[1], [0], [0], [1], [0, 0, 1, 1], [], []>, transpose_lhs_hint = false} : vector<128x128xbf16>, vector<128x32xbf16>, vector<128x32xf32> -> vector<128x32xf32>
    %get3A_627 = arith.constant 0 : index
    %get3A_628 = arith.constant 0 : index
    %get3A_629 = vector.load %arg7[%get3A_627, %get3A_628] : memref<1x32xf32, #tpu.memory_space<vmem>>, vector<1x32xf32>
    %add3A_630 = vector.broadcast %get3A_629 : vector<1x32xf32> to vector<128x32xf32>
    %add3A_631 = arith.addf %dot_general3A_626, %add3A_630 : vector<128x32xf32>
    %get3A_632 = arith.constant 0 : index
    %get3A_633 = arith.constant 0 : index
    %get3A_634 = vector.load %arg11[%get3A_632, %get3A_633] : memref<32x32xf32, #tpu.memory_space<vmem>>, vector<32x32xf32>
    %dot_general3A_635 = arith.constant dense<0.000000e+00> : vector<128x32xf32>
    %dot_general3A_636 = tpu.matmul %add3A_562, %get3A_634, %dot_general3A_635 {dimension_numbers = #tpu.dot_dimension_numbers<[1], [0], [0], [1], [0, 0, 1, 1], [], []>, transpose_lhs_hint = false} : vector<128x32xf32>, vector<32x32xf32>, vector<128x32xf32> -> vector<128x32xf32>
    %add3A_637 = arith.addf %add3A_631, %dot_general3A_636 : vector<128x32xf32>
    %tanh3A_638 = math.tanh %add3A_637 : vector<128x32xf32>
    %add3A_639 = arith.constant 1.000000e+00 : f32
    %add3A_640 = vector.broadcast %add3A_639 : f32 to vector<128x32xf32>
    %add3A_641 = arith.addf %add3A_640, %tanh3A_638 : vector<128x32xf32>
    %mul3A_642 = arith.mulf %add3A_582, %tanh3A_599 : vector<128x32xf32>
    %slice3A_643 = vector.extract_strided_slice %mul3A_621 {offsets = [0, 0], sizes = [128, 32], strides = [1, 1]} : vector<256x32xf32> to vector<128x32xf32>
    %add3A_644 = arith.addf %mul3A_642, %slice3A_643 : vector<128x32xf32>
    %slice3A_645 = vector.extract_strided_slice %mul3A_621 {offsets = [128, 0], sizes = [128, 32], strides = [1, 1]} : vector<256x32xf32> to vector<128x32xf32>
    %add3A_646 = arith.addf %add3A_644, %slice3A_645 : vector<128x32xf32>
    %mul3A_647 = arith.constant 5.000000e-01 : f32
    %mul3A_648 = vector.broadcast %mul3A_647 : f32 to vector<128x32xf32>
    %mul3A_649 = arith.mulf %mul3A_648, %add3A_646 : vector<128x32xf32>
    %tanh3A_650 = math.tanh %mul3A_649 : vector<128x32xf32>
    %mul3A_651 = arith.mulf %add3A_641, %tanh3A_650 : vector<128x32xf32>
    %reshape3A_652 = vector.shape_cast %mul3A_651 : vector<128x32xf32> to vector<16x8x32xf32>
    %reduce_sum3A_653 = arith.constant dense<0.000000e+00> : vector<8x32xf32>
    %reduce_sum3A_654 = vector.multi_reduction <add>, %reshape3A_652, %reduce_sum3A_653 [0] : vector<16x8x32xf32> to vector<8x32xf32>
    %add3A_655 = arith.addf %add3A_553, %reduce_sum3A_654 : vector<8x32xf32>
    %get3A_656 = arith.constant 2032 : index
    %get3A_657 = arith.constant 0 : index
    %get3A_658 = arith.constant 0 : index
    %get3A_659 = vector.load %arg1[%get3A_656, %get3A_657, %get3A_658] : memref<2047x8x128xf32, #tpu.memory_space<vmem>>, vector<8x8x128xf32>
    %reshape3A_660 = vector.shape_cast %get3A_659 : vector<8x8x128xf32> to vector<64x128xf32>
    %convert_element_type3A_661 = arith.truncf %reshape3A_660 : vector<64x128xf32> to vector<64x128xbf16>
    %slice3A_662 = vector.extract_strided_slice %mul3A_651 {offsets = [0, 0], sizes = [64, 32], strides = [1, 1]} : vector<128x32xf32> to vector<64x32xf32>
    %slice3A_663 = vector.extract_strided_slice %mul3A_651 {offsets = [64, 0], sizes = [64, 32], strides = [1, 1]} : vector<128x32xf32> to vector<64x32xf32>
    %add3A_664 = arith.addf %slice3A_662, %slice3A_663 : vector<64x32xf32>
    %get3A_665 = arith.constant 0 : index
    %get3A_666 = arith.constant 0 : index
    %get3A_667 = vector.load %arg2[%get3A_665, %get3A_666] : memref<128x32xbf16, #tpu.memory_space<vmem>>, vector<128x32xbf16>
    %dot_general3A_668 = arith.constant dense<0.000000e+00> : vector<64x32xf32>
    %dot_general3A_669 = tpu.matmul %convert_element_type3A_661, %get3A_667, %dot_general3A_668 {dimension_numbers = #tpu.dot_dimension_numbers<[1], [0], [0], [1], [0, 0, 1, 1], [], []>, transpose_lhs_hint = false} : vector<64x128xbf16>, vector<128x32xbf16>, vector<64x32xf32> -> vector<64x32xf32>
    %get3A_670 = arith.constant 0 : index
    %get3A_671 = arith.constant 0 : index
    %get3A_672 = vector.load %arg6[%get3A_670, %get3A_671] : memref<1x32xf32, #tpu.memory_space<vmem>>, vector<1x32xf32>
    %add3A_673 = vector.broadcast %get3A_672 : vector<1x32xf32> to vector<64x32xf32>
    %add3A_674 = arith.addf %dot_general3A_669, %add3A_673 : vector<64x32xf32>
    %get3A_675 = arith.constant 0 : index
    %get3A_676 = arith.constant 0 : index
    %get3A_677 = vector.load %arg10[%get3A_675, %get3A_676] : memref<32x32xf32, #tpu.memory_space<vmem>>, vector<32x32xf32>
    %dot_general3A_678 = arith.constant dense<0.000000e+00> : vector<64x32xf32>
    %dot_general3A_679 = tpu.matmul %add3A_664, %get3A_677, %dot_general3A_678 {dimension_numbers = #tpu.dot_dimension_numbers<[1], [0], [0], [1], [0, 0, 1, 1], [], []>, transpose_lhs_hint = false} : vector<64x32xf32>, vector<32x32xf32>, vector<64x32xf32> -> vector<64x32xf32>
    %add3A_680 = arith.addf %add3A_674, %dot_general3A_679 : vector<64x32xf32>
    %tanh3A_681 = math.tanh %add3A_680 : vector<64x32xf32>
    %add3A_682 = arith.constant 1.000000e+00 : f32
    %add3A_683 = vector.broadcast %add3A_682 : f32 to vector<64x32xf32>
    %add3A_684 = arith.addf %add3A_683, %tanh3A_681 : vector<64x32xf32>
    %get3A_685 = arith.constant 0 : index
    %get3A_686 = arith.constant 0 : index
    %get3A_687 = vector.load %arg4[%get3A_685, %get3A_686] : memref<128x32xbf16, #tpu.memory_space<vmem>>, vector<128x32xbf16>
    %dot_general3A_688 = arith.constant dense<0.000000e+00> : vector<64x32xf32>
    %dot_general3A_689 = tpu.matmul %convert_element_type3A_661, %get3A_687, %dot_general3A_688 {dimension_numbers = #tpu.dot_dimension_numbers<[1], [0], [0], [1], [0, 0, 1, 1], [], []>, transpose_lhs_hint = false} : vector<64x128xbf16>, vector<128x32xbf16>, vector<64x32xf32> -> vector<64x32xf32>
    %get3A_690 = arith.constant 0 : index
    %get3A_691 = arith.constant 0 : index
    %get3A_692 = vector.load %arg8[%get3A_690, %get3A_691] : memref<1x32xf32, #tpu.memory_space<vmem>>, vector<1x32xf32>
    %add3A_693 = vector.broadcast %get3A_692 : vector<1x32xf32> to vector<64x32xf32>
    %add3A_694 = arith.addf %dot_general3A_689, %add3A_693 : vector<64x32xf32>
    %get3A_695 = arith.constant 0 : index
    %get3A_696 = arith.constant 0 : index
    %get3A_697 = vector.load %arg12[%get3A_695, %get3A_696] : memref<32x32xf32, #tpu.memory_space<vmem>>, vector<32x32xf32>
    %dot_general3A_698 = arith.constant dense<0.000000e+00> : vector<64x32xf32>
    %dot_general3A_699 = tpu.matmul %add3A_664, %get3A_697, %dot_general3A_698 {dimension_numbers = #tpu.dot_dimension_numbers<[1], [0], [0], [1], [0, 0, 1, 1], [], []>, transpose_lhs_hint = false} : vector<64x32xf32>, vector<32x32xf32>, vector<64x32xf32> -> vector<64x32xf32>
    %add3A_700 = arith.addf %add3A_694, %dot_general3A_699 : vector<64x32xf32>
    %tanh3A_701 = math.tanh %add3A_700 : vector<64x32xf32>
    %get3A_702 = arith.constant 0 : index
    %get3A_703 = arith.constant 0 : index
    %get3A_704 = vector.load %arg5[%get3A_702, %get3A_703] : memref<128x32xbf16, #tpu.memory_space<vmem>>, vector<128x32xbf16>
    %dot_general3A_705 = arith.constant dense<0.000000e+00> : vector<64x32xf32>
    %dot_general3A_706 = tpu.matmul %convert_element_type3A_661, %get3A_704, %dot_general3A_705 {dimension_numbers = #tpu.dot_dimension_numbers<[1], [0], [0], [1], [0, 0, 1, 1], [], []>, transpose_lhs_hint = false} : vector<64x128xbf16>, vector<128x32xbf16>, vector<64x32xf32> -> vector<64x32xf32>
    %get3A_707 = arith.constant 0 : index
    %get3A_708 = arith.constant 0 : index
    %get3A_709 = vector.load %arg9[%get3A_707, %get3A_708] : memref<1x32xf32, #tpu.memory_space<vmem>>, vector<1x32xf32>
    %add3A_710 = vector.broadcast %get3A_709 : vector<1x32xf32> to vector<64x32xf32>
    %add3A_711 = arith.addf %dot_general3A_706, %add3A_710 : vector<64x32xf32>
    %concatenate3A_712 = tpu.concatenate %add3A_711, %add3A_711 in 0 : vector<64x32xf32>, vector<64x32xf32> -> vector<128x32xf32>
    %get3A_713 = arith.constant 0 : index
    %get3A_714 = arith.constant 0 : index
    %get3A_715 = vector.load %arg13[%get3A_713, %get3A_714] : memref<32x32xf32, #tpu.memory_space<vmem>>, vector<32x32xf32>
    %dot_general3A_716 = arith.constant dense<0.000000e+00> : vector<128x32xf32>
    %dot_general3A_717 = tpu.matmul %mul3A_651, %get3A_715, %dot_general3A_716 {dimension_numbers = #tpu.dot_dimension_numbers<[1], [0], [0], [1], [0, 0, 1, 1], [], []>, transpose_lhs_hint = false} : vector<128x32xf32>, vector<32x32xf32>, vector<128x32xf32> -> vector<128x32xf32>
    %add3A_718 = arith.addf %concatenate3A_712, %dot_general3A_717 : vector<128x32xf32>
    %tanh3A_719 = math.tanh %add3A_718 : vector<128x32xf32>
    %add3A_720 = arith.constant 1.000000e+00 : f32
    %add3A_721 = vector.broadcast %add3A_720 : f32 to vector<128x32xf32>
    %add3A_722 = arith.addf %add3A_721, %tanh3A_719 : vector<128x32xf32>
    %mul3A_723 = arith.mulf %add3A_722, %mul3A_649 : vector<128x32xf32>
    %get3A_724 = arith.constant 0 : index
    %get3A_725 = arith.constant 0 : index
    %get3A_726 = vector.load %arg3[%get3A_724, %get3A_725] : memref<128x32xbf16, #tpu.memory_space<vmem>>, vector<128x32xbf16>
    %dot_general3A_727 = arith.constant dense<0.000000e+00> : vector<64x32xf32>
    %dot_general3A_728 = tpu.matmul %convert_element_type3A_661, %get3A_726, %dot_general3A_727 {dimension_numbers = #tpu.dot_dimension_numbers<[1], [0], [0], [1], [0, 0, 1, 1], [], []>, transpose_lhs_hint = false} : vector<64x128xbf16>, vector<128x32xbf16>, vector<64x32xf32> -> vector<64x32xf32>
    %get3A_729 = arith.constant 0 : index
    %get3A_730 = arith.constant 0 : index
    %get3A_731 = vector.load %arg7[%get3A_729, %get3A_730] : memref<1x32xf32, #tpu.memory_space<vmem>>, vector<1x32xf32>
    %add3A_732 = vector.broadcast %get3A_731 : vector<1x32xf32> to vector<64x32xf32>
    %add3A_733 = arith.addf %dot_general3A_728, %add3A_732 : vector<64x32xf32>
    %get3A_734 = arith.constant 0 : index
    %get3A_735 = arith.constant 0 : index
    %get3A_736 = vector.load %arg11[%get3A_734, %get3A_735] : memref<32x32xf32, #tpu.memory_space<vmem>>, vector<32x32xf32>
    %dot_general3A_737 = arith.constant dense<0.000000e+00> : vector<64x32xf32>
    %dot_general3A_738 = tpu.matmul %add3A_664, %get3A_736, %dot_general3A_737 {dimension_numbers = #tpu.dot_dimension_numbers<[1], [0], [0], [1], [0, 0, 1, 1], [], []>, transpose_lhs_hint = false} : vector<64x32xf32>, vector<32x32xf32>, vector<64x32xf32> -> vector<64x32xf32>
    %add3A_739 = arith.addf %add3A_733, %dot_general3A_738 : vector<64x32xf32>
    %tanh3A_740 = math.tanh %add3A_739 : vector<64x32xf32>
    %add3A_741 = arith.constant 1.000000e+00 : f32
    %add3A_742 = vector.broadcast %add3A_741 : f32 to vector<64x32xf32>
    %add3A_743 = arith.addf %add3A_742, %tanh3A_740 : vector<64x32xf32>
    %mul3A_744 = arith.mulf %add3A_684, %tanh3A_701 : vector<64x32xf32>
    %slice3A_745 = vector.extract_strided_slice %mul3A_723 {offsets = [0, 0], sizes = [64, 32], strides = [1, 1]} : vector<128x32xf32> to vector<64x32xf32>
    %add3A_746 = arith.addf %mul3A_744, %slice3A_745 : vector<64x32xf32>
    %slice3A_747 = vector.extract_strided_slice %mul3A_723 {offsets = [64, 0], sizes = [64, 32], strides = [1, 1]} : vector<128x32xf32> to vector<64x32xf32>
    %add3A_748 = arith.addf %add3A_746, %slice3A_747 : vector<64x32xf32>
    %mul3A_749 = arith.constant 5.000000e-01 : f32
    %mul3A_750 = vector.broadcast %mul3A_749 : f32 to vector<64x32xf32>
    %mul3A_751 = arith.mulf %mul3A_750, %add3A_748 : vector<64x32xf32>
    %tanh3A_752 = math.tanh %mul3A_751 : vector<64x32xf32>
    %mul3A_753 = arith.mulf %add3A_743, %tanh3A_752 : vector<64x32xf32>
    %reshape3A_754 = vector.shape_cast %mul3A_753 : vector<64x32xf32> to vector<8x8x32xf32>
    %reduce_sum3A_755 = arith.constant dense<0.000000e+00> : vector<8x32xf32>
    %reduce_sum3A_756 = vector.multi_reduction <add>, %reshape3A_754, %reduce_sum3A_755 [0] : vector<8x8x32xf32> to vector<8x32xf32>
    %add3A_757 = arith.addf %add3A_655, %reduce_sum3A_756 : vector<8x32xf32>
    %get3A_758 = arith.constant 2040 : index
    %get3A_759 = arith.constant 0 : index
    %get3A_760 = arith.constant 0 : index
    %get3A_761 = vector.load %arg1[%get3A_758, %get3A_759, %get3A_760] : memref<2047x8x128xf32, #tpu.memory_space<vmem>>, vector<4x8x128xf32>
    %reshape3A_762 = vector.shape_cast %get3A_761 : vector<4x8x128xf32> to vector<32x128xf32>
    %convert_element_type3A_763 = arith.truncf %reshape3A_762 : vector<32x128xf32> to vector<32x128xbf16>
    %slice3A_764 = vector.extract_strided_slice %mul3A_753 {offsets = [0, 0], sizes = [32, 32], strides = [1, 1]} : vector<64x32xf32> to vector<32x32xf32>
    %slice3A_765 = vector.extract_strided_slice %mul3A_753 {offsets = [32, 0], sizes = [32, 32], strides = [1, 1]} : vector<64x32xf32> to vector<32x32xf32>
    %add3A_766 = arith.addf %slice3A_764, %slice3A_765 : vector<32x32xf32>
    %get3A_767 = arith.constant 0 : index
    %get3A_768 = arith.constant 0 : index
    %get3A_769 = vector.load %arg2[%get3A_767, %get3A_768] : memref<128x32xbf16, #tpu.memory_space<vmem>>, vector<128x32xbf16>
    %dot_general3A_770 = arith.constant dense<0.000000e+00> : vector<32x32xf32>
    %dot_general3A_771 = tpu.matmul %convert_element_type3A_763, %get3A_769, %dot_general3A_770 {dimension_numbers = #tpu.dot_dimension_numbers<[1], [0], [0], [1], [0, 0, 1, 1], [], []>, transpose_lhs_hint = false} : vector<32x128xbf16>, vector<128x32xbf16>, vector<32x32xf32> -> vector<32x32xf32>
    %get3A_772 = arith.constant 0 : index
    %get3A_773 = arith.constant 0 : index
    %get3A_774 = vector.load %arg6[%get3A_772, %get3A_773] : memref<1x32xf32, #tpu.memory_space<vmem>>, vector<1x32xf32>
    %add3A_775 = vector.broadcast %get3A_774 : vector<1x32xf32> to vector<32x32xf32>
    %add3A_776 = arith.addf %dot_general3A_771, %add3A_775 : vector<32x32xf32>
    %get3A_777 = arith.constant 0 : index
    %get3A_778 = arith.constant 0 : index
    %get3A_779 = vector.load %arg10[%get3A_777, %get3A_778] : memref<32x32xf32, #tpu.memory_space<vmem>>, vector<32x32xf32>
    %dot_general3A_780 = arith.constant dense<0.000000e+00> : vector<32x32xf32>
    %dot_general3A_781 = tpu.matmul %add3A_766, %get3A_779, %dot_general3A_780 {dimension_numbers = #tpu.dot_dimension_numbers<[1], [0], [0], [1], [0, 0, 1, 1], [], []>, transpose_lhs_hint = false} : vector<32x32xf32>, vector<32x32xf32>, vector<32x32xf32> -> vector<32x32xf32>
    %add3A_782 = arith.addf %add3A_776, %dot_general3A_781 : vector<32x32xf32>
    %tanh3A_783 = math.tanh %add3A_782 : vector<32x32xf32>
    %add3A_784 = arith.constant 1.000000e+00 : f32
    %add3A_785 = vector.broadcast %add3A_784 : f32 to vector<32x32xf32>
    %add3A_786 = arith.addf %add3A_785, %tanh3A_783 : vector<32x32xf32>
    %get3A_787 = arith.constant 0 : index
    %get3A_788 = arith.constant 0 : index
    %get3A_789 = vector.load %arg4[%get3A_787, %get3A_788] : memref<128x32xbf16, #tpu.memory_space<vmem>>, vector<128x32xbf16>
    %dot_general3A_790 = arith.constant dense<0.000000e+00> : vector<32x32xf32>
    %dot_general3A_791 = tpu.matmul %convert_element_type3A_763, %get3A_789, %dot_general3A_790 {dimension_numbers = #tpu.dot_dimension_numbers<[1], [0], [0], [1], [0, 0, 1, 1], [], []>, transpose_lhs_hint = false} : vector<32x128xbf16>, vector<128x32xbf16>, vector<32x32xf32> -> vector<32x32xf32>
    %get3A_792 = arith.constant 0 : index
    %get3A_793 = arith.constant 0 : index
    %get3A_794 = vector.load %arg8[%get3A_792, %get3A_793] : memref<1x32xf32, #tpu.memory_space<vmem>>, vector<1x32xf32>
    %add3A_795 = vector.broadcast %get3A_794 : vector<1x32xf32> to vector<32x32xf32>
    %add3A_796 = arith.addf %dot_general3A_791, %add3A_795 : vector<32x32xf32>
    %get3A_797 = arith.constant 0 : index
    %get3A_798 = arith.constant 0 : index
    %get3A_799 = vector.load %arg12[%get3A_797, %get3A_798] : memref<32x32xf32, #tpu.memory_space<vmem>>, vector<32x32xf32>
    %dot_general3A_800 = arith.constant dense<0.000000e+00> : vector<32x32xf32>
    %dot_general3A_801 = tpu.matmul %add3A_766, %get3A_799, %dot_general3A_800 {dimension_numbers = #tpu.dot_dimension_numbers<[1], [0], [0], [1], [0, 0, 1, 1], [], []>, transpose_lhs_hint = false} : vector<32x32xf32>, vector<32x32xf32>, vector<32x32xf32> -> vector<32x32xf32>
    %add3A_802 = arith.addf %add3A_796, %dot_general3A_801 : vector<32x32xf32>
    %tanh3A_803 = math.tanh %add3A_802 : vector<32x32xf32>
    %get3A_804 = arith.constant 0 : index
    %get3A_805 = arith.constant 0 : index
    %get3A_806 = vector.load %arg5[%get3A_804, %get3A_805] : memref<128x32xbf16, #tpu.memory_space<vmem>>, vector<128x32xbf16>
    %dot_general3A_807 = arith.constant dense<0.000000e+00> : vector<32x32xf32>
    %dot_general3A_808 = tpu.matmul %convert_element_type3A_763, %get3A_806, %dot_general3A_807 {dimension_numbers = #tpu.dot_dimension_numbers<[1], [0], [0], [1], [0, 0, 1, 1], [], []>, transpose_lhs_hint = false} : vector<32x128xbf16>, vector<128x32xbf16>, vector<32x32xf32> -> vector<32x32xf32>
    %get3A_809 = arith.constant 0 : index
    %get3A_810 = arith.constant 0 : index
    %get3A_811 = vector.load %arg9[%get3A_809, %get3A_810] : memref<1x32xf32, #tpu.memory_space<vmem>>, vector<1x32xf32>
    %add3A_812 = vector.broadcast %get3A_811 : vector<1x32xf32> to vector<32x32xf32>
    %add3A_813 = arith.addf %dot_general3A_808, %add3A_812 : vector<32x32xf32>
    %concatenate3A_814 = tpu.concatenate %add3A_813, %add3A_813 in 0 : vector<32x32xf32>, vector<32x32xf32> -> vector<64x32xf32>
    %get3A_815 = arith.constant 0 : index
    %get3A_816 = arith.constant 0 : index
    %get3A_817 = vector.load %arg13[%get3A_815, %get3A_816] : memref<32x32xf32, #tpu.memory_space<vmem>>, vector<32x32xf32>
    %dot_general3A_818 = arith.constant dense<0.000000e+00> : vector<64x32xf32>
    %dot_general3A_819 = tpu.matmul %mul3A_753, %get3A_817, %dot_general3A_818 {dimension_numbers = #tpu.dot_dimension_numbers<[1], [0], [0], [1], [0, 0, 1, 1], [], []>, transpose_lhs_hint = false} : vector<64x32xf32>, vector<32x32xf32>, vector<64x32xf32> -> vector<64x32xf32>
    %add3A_820 = arith.addf %concatenate3A_814, %dot_general3A_819 : vector<64x32xf32>
    %tanh3A_821 = math.tanh %add3A_820 : vector<64x32xf32>
    %add3A_822 = arith.constant 1.000000e+00 : f32
    %add3A_823 = vector.broadcast %add3A_822 : f32 to vector<64x32xf32>
    %add3A_824 = arith.addf %add3A_823, %tanh3A_821 : vector<64x32xf32>
    %mul3A_825 = arith.mulf %add3A_824, %mul3A_751 : vector<64x32xf32>
    %get3A_826 = arith.constant 0 : index
    %get3A_827 = arith.constant 0 : index
    %get3A_828 = vector.load %arg3[%get3A_826, %get3A_827] : memref<128x32xbf16, #tpu.memory_space<vmem>>, vector<128x32xbf16>
    %dot_general3A_829 = arith.constant dense<0.000000e+00> : vector<32x32xf32>
    %dot_general3A_830 = tpu.matmul %convert_element_type3A_763, %get3A_828, %dot_general3A_829 {dimension_numbers = #tpu.dot_dimension_numbers<[1], [0], [0], [1], [0, 0, 1, 1], [], []>, transpose_lhs_hint = false} : vector<32x128xbf16>, vector<128x32xbf16>, vector<32x32xf32> -> vector<32x32xf32>
    %get3A_831 = arith.constant 0 : index
    %get3A_832 = arith.constant 0 : index
    %get3A_833 = vector.load %arg7[%get3A_831, %get3A_832] : memref<1x32xf32, #tpu.memory_space<vmem>>, vector<1x32xf32>
    %add3A_834 = vector.broadcast %get3A_833 : vector<1x32xf32> to vector<32x32xf32>
    %add3A_835 = arith.addf %dot_general3A_830, %add3A_834 : vector<32x32xf32>
    %get3A_836 = arith.constant 0 : index
    %get3A_837 = arith.constant 0 : index
    %get3A_838 = vector.load %arg11[%get3A_836, %get3A_837] : memref<32x32xf32, #tpu.memory_space<vmem>>, vector<32x32xf32>
    %dot_general3A_839 = arith.constant dense<0.000000e+00> : vector<32x32xf32>
    %dot_general3A_840 = tpu.matmul %add3A_766, %get3A_838, %dot_general3A_839 {dimension_numbers = #tpu.dot_dimension_numbers<[1], [0], [0], [1], [0, 0, 1, 1], [], []>, transpose_lhs_hint = false} : vector<32x32xf32>, vector<32x32xf32>, vector<32x32xf32> -> vector<32x32xf32>
    %add3A_841 = arith.addf %add3A_835, %dot_general3A_840 : vector<32x32xf32>
    %tanh3A_842 = math.tanh %add3A_841 : vector<32x32xf32>
    %add3A_843 = arith.constant 1.000000e+00 : f32
    %add3A_844 = vector.broadcast %add3A_843 : f32 to vector<32x32xf32>
    %add3A_845 = arith.addf %add3A_844, %tanh3A_842 : vector<32x32xf32>
    %mul3A_846 = arith.mulf %add3A_786, %tanh3A_803 : vector<32x32xf32>
    %slice3A_847 = vector.extract_strided_slice %mul3A_825 {offsets = [0, 0], sizes = [32, 32], strides = [1, 1]} : vector<64x32xf32> to vector<32x32xf32>
    %add3A_848 = arith.addf %mul3A_846, %slice3A_847 : vector<32x32xf32>
    %slice3A_849 = vector.extract_strided_slice %mul3A_825 {offsets = [32, 0], sizes = [32, 32], strides = [1, 1]} : vector<64x32xf32> to vector<32x32xf32>
    %add3A_850 = arith.addf %add3A_848, %slice3A_849 : vector<32x32xf32>
    %mul3A_851 = arith.constant 5.000000e-01 : f32
    %mul3A_852 = vector.broadcast %mul3A_851 : f32 to vector<32x32xf32>
    %mul3A_853 = arith.mulf %mul3A_852, %add3A_850 : vector<32x32xf32>
    %tanh3A_854 = math.tanh %mul3A_853 : vector<32x32xf32>
    %mul3A_855 = arith.mulf %add3A_845, %tanh3A_854 : vector<32x32xf32>
    %reshape3A_856 = vector.shape_cast %mul3A_855 : vector<32x32xf32> to vector<4x8x32xf32>
    %reduce_sum3A_857 = arith.constant dense<0.000000e+00> : vector<8x32xf32>
    %reduce_sum3A_858 = vector.multi_reduction <add>, %reshape3A_856, %reduce_sum3A_857 [0] : vector<4x8x32xf32> to vector<8x32xf32>
    %add3A_859 = arith.addf %add3A_757, %reduce_sum3A_858 : vector<8x32xf32>
    %get3A_860 = arith.constant 2044 : index
    %get3A_861 = arith.constant 0 : index
    %get3A_862 = arith.constant 0 : index
    %get3A_863 = vector.load %arg1[%get3A_860, %get3A_861, %get3A_862] : memref<2047x8x128xf32, #tpu.memory_space<vmem>>, vector<2x8x128xf32>
    %reshape3A_864 = vector.shape_cast %get3A_863 : vector<2x8x128xf32> to vector<16x128xf32>
    %convert_element_type3A_865 = arith.truncf %reshape3A_864 : vector<16x128xf32> to vector<16x128xbf16>
    %slice3A_866 = vector.extract_strided_slice %mul3A_855 {offsets = [0, 0], sizes = [16, 32], strides = [1, 1]} : vector<32x32xf32> to vector<16x32xf32>
    %slice3A_867 = vector.extract_strided_slice %mul3A_855 {offsets = [16, 0], sizes = [16, 32], strides = [1, 1]} : vector<32x32xf32> to vector<16x32xf32>
    %add3A_868 = arith.addf %slice3A_866, %slice3A_867 : vector<16x32xf32>
    %get3A_869 = arith.constant 0 : index
    %get3A_870 = arith.constant 0 : index
    %get3A_871 = vector.load %arg2[%get3A_869, %get3A_870] : memref<128x32xbf16, #tpu.memory_space<vmem>>, vector<128x32xbf16>
    %dot_general3A_872 = arith.constant dense<0.000000e+00> : vector<16x32xf32>
    %dot_general3A_873 = tpu.matmul %convert_element_type3A_865, %get3A_871, %dot_general3A_872 {dimension_numbers = #tpu.dot_dimension_numbers<[1], [0], [0], [1], [0, 0, 1, 1], [], []>, transpose_lhs_hint = false} : vector<16x128xbf16>, vector<128x32xbf16>, vector<16x32xf32> -> vector<16x32xf32>
    %get3A_874 = arith.constant 0 : index
    %get3A_875 = arith.constant 0 : index
    %get3A_876 = vector.load %arg6[%get3A_874, %get3A_875] : memref<1x32xf32, #tpu.memory_space<vmem>>, vector<1x32xf32>
    %add3A_877 = vector.broadcast %get3A_876 : vector<1x32xf32> to vector<16x32xf32>
    %add3A_878 = arith.addf %dot_general3A_873, %add3A_877 : vector<16x32xf32>
    %get3A_879 = arith.constant 0 : index
    %get3A_880 = arith.constant 0 : index
    %get3A_881 = vector.load %arg10[%get3A_879, %get3A_880] : memref<32x32xf32, #tpu.memory_space<vmem>>, vector<32x32xf32>
    %dot_general3A_882 = arith.constant dense<0.000000e+00> : vector<16x32xf32>
    %dot_general3A_883 = tpu.matmul %add3A_868, %get3A_881, %dot_general3A_882 {dimension_numbers = #tpu.dot_dimension_numbers<[1], [0], [0], [1], [0, 0, 1, 1], [], []>, transpose_lhs_hint = false} : vector<16x32xf32>, vector<32x32xf32>, vector<16x32xf32> -> vector<16x32xf32>
    %add3A_884 = arith.addf %add3A_878, %dot_general3A_883 : vector<16x32xf32>
    %tanh3A_885 = math.tanh %add3A_884 : vector<16x32xf32>
    %add3A_886 = arith.constant 1.000000e+00 : f32
    %add3A_887 = vector.broadcast %add3A_886 : f32 to vector<16x32xf32>
    %add3A_888 = arith.addf %add3A_887, %tanh3A_885 : vector<16x32xf32>
    %get3A_889 = arith.constant 0 : index
    %get3A_890 = arith.constant 0 : index
    %get3A_891 = vector.load %arg4[%get3A_889, %get3A_890] : memref<128x32xbf16, #tpu.memory_space<vmem>>, vector<128x32xbf16>
    %dot_general3A_892 = arith.constant dense<0.000000e+00> : vector<16x32xf32>
    %dot_general3A_893 = tpu.matmul %convert_element_type3A_865, %get3A_891, %dot_general3A_892 {dimension_numbers = #tpu.dot_dimension_numbers<[1], [0], [0], [1], [0, 0, 1, 1], [], []>, transpose_lhs_hint = false} : vector<16x128xbf16>, vector<128x32xbf16>, vector<16x32xf32> -> vector<16x32xf32>
    %get3A_894 = arith.constant 0 : index
    %get3A_895 = arith.constant 0 : index
    %get3A_896 = vector.load %arg8[%get3A_894, %get3A_895] : memref<1x32xf32, #tpu.memory_space<vmem>>, vector<1x32xf32>
    %add3A_897 = vector.broadcast %get3A_896 : vector<1x32xf32> to vector<16x32xf32>
    %add3A_898 = arith.addf %dot_general3A_893, %add3A_897 : vector<16x32xf32>
    %get3A_899 = arith.constant 0 : index
    %get3A_900 = arith.constant 0 : index
    %get3A_901 = vector.load %arg12[%get3A_899, %get3A_900] : memref<32x32xf32, #tpu.memory_space<vmem>>, vector<32x32xf32>
    %dot_general3A_902 = arith.constant dense<0.000000e+00> : vector<16x32xf32>
    %dot_general3A_903 = tpu.matmul %add3A_868, %get3A_901, %dot_general3A_902 {dimension_numbers = #tpu.dot_dimension_numbers<[1], [0], [0], [1], [0, 0, 1, 1], [], []>, transpose_lhs_hint = false} : vector<16x32xf32>, vector<32x32xf32>, vector<16x32xf32> -> vector<16x32xf32>
    %add3A_904 = arith.addf %add3A_898, %dot_general3A_903 : vector<16x32xf32>
    %tanh3A_905 = math.tanh %add3A_904 : vector<16x32xf32>
    %get3A_906 = arith.constant 0 : index
    %get3A_907 = arith.constant 0 : index
    %get3A_908 = vector.load %arg5[%get3A_906, %get3A_907] : memref<128x32xbf16, #tpu.memory_space<vmem>>, vector<128x32xbf16>
    %dot_general3A_909 = arith.constant dense<0.000000e+00> : vector<16x32xf32>
    %dot_general3A_910 = tpu.matmul %convert_element_type3A_865, %get3A_908, %dot_general3A_909 {dimension_numbers = #tpu.dot_dimension_numbers<[1], [0], [0], [1], [0, 0, 1, 1], [], []>, transpose_lhs_hint = false} : vector<16x128xbf16>, vector<128x32xbf16>, vector<16x32xf32> -> vector<16x32xf32>
    %get3A_911 = arith.constant 0 : index
    %get3A_912 = arith.constant 0 : index
    %get3A_913 = vector.load %arg9[%get3A_911, %get3A_912] : memref<1x32xf32, #tpu.memory_space<vmem>>, vector<1x32xf32>
    %add3A_914 = vector.broadcast %get3A_913 : vector<1x32xf32> to vector<16x32xf32>
    %add3A_915 = arith.addf %dot_general3A_910, %add3A_914 : vector<16x32xf32>
    %concatenate3A_916 = tpu.concatenate %add3A_915, %add3A_915 in 0 : vector<16x32xf32>, vector<16x32xf32> -> vector<32x32xf32>
    %get3A_917 = arith.constant 0 : index
    %get3A_918 = arith.constant 0 : index
    %get3A_919 = vector.load %arg13[%get3A_917, %get3A_918] : memref<32x32xf32, #tpu.memory_space<vmem>>, vector<32x32xf32>
    %dot_general3A_920 = arith.constant dense<0.000000e+00> : vector<32x32xf32>
    %dot_general3A_921 = tpu.matmul %mul3A_855, %get3A_919, %dot_general3A_920 {dimension_numbers = #tpu.dot_dimension_numbers<[1], [0], [0], [1], [0, 0, 1, 1], [], []>, transpose_lhs_hint = false} : vector<32x32xf32>, vector<32x32xf32>, vector<32x32xf32> -> vector<32x32xf32>
    %add3A_922 = arith.addf %concatenate3A_916, %dot_general3A_921 : vector<32x32xf32>
    %tanh3A_923 = math.tanh %add3A_922 : vector<32x32xf32>
    %add3A_924 = arith.constant 1.000000e+00 : f32
    %add3A_925 = vector.broadcast %add3A_924 : f32 to vector<32x32xf32>
    %add3A_926 = arith.addf %add3A_925, %tanh3A_923 : vector<32x32xf32>
    %mul3A_927 = arith.mulf %add3A_926, %mul3A_853 : vector<32x32xf32>
    %get3A_928 = arith.constant 0 : index
    %get3A_929 = arith.constant 0 : index
    %get3A_930 = vector.load %arg3[%get3A_928, %get3A_929] : memref<128x32xbf16, #tpu.memory_space<vmem>>, vector<128x32xbf16>
    %dot_general3A_931 = arith.constant dense<0.000000e+00> : vector<16x32xf32>
    %dot_general3A_932 = tpu.matmul %convert_element_type3A_865, %get3A_930, %dot_general3A_931 {dimension_numbers = #tpu.dot_dimension_numbers<[1], [0], [0], [1], [0, 0, 1, 1], [], []>, transpose_lhs_hint = false} : vector<16x128xbf16>, vector<128x32xbf16>, vector<16x32xf32> -> vector<16x32xf32>
    %get3A_933 = arith.constant 0 : index
    %get3A_934 = arith.constant 0 : index
    %get3A_935 = vector.load %arg7[%get3A_933, %get3A_934] : memref<1x32xf32, #tpu.memory_space<vmem>>, vector<1x32xf32>
    %add3A_936 = vector.broadcast %get3A_935 : vector<1x32xf32> to vector<16x32xf32>
    %add3A_937 = arith.addf %dot_general3A_932, %add3A_936 : vector<16x32xf32>
    %get3A_938 = arith.constant 0 : index
    %get3A_939 = arith.constant 0 : index
    %get3A_940 = vector.load %arg11[%get3A_938, %get3A_939] : memref<32x32xf32, #tpu.memory_space<vmem>>, vector<32x32xf32>
    %dot_general3A_941 = arith.constant dense<0.000000e+00> : vector<16x32xf32>
    %dot_general3A_942 = tpu.matmul %add3A_868, %get3A_940, %dot_general3A_941 {dimension_numbers = #tpu.dot_dimension_numbers<[1], [0], [0], [1], [0, 0, 1, 1], [], []>, transpose_lhs_hint = false} : vector<16x32xf32>, vector<32x32xf32>, vector<16x32xf32> -> vector<16x32xf32>
    %add3A_943 = arith.addf %add3A_937, %dot_general3A_942 : vector<16x32xf32>
    %tanh3A_944 = math.tanh %add3A_943 : vector<16x32xf32>
    %add3A_945 = arith.constant 1.000000e+00 : f32
    %add3A_946 = vector.broadcast %add3A_945 : f32 to vector<16x32xf32>
    %add3A_947 = arith.addf %add3A_946, %tanh3A_944 : vector<16x32xf32>
    %mul3A_948 = arith.mulf %add3A_888, %tanh3A_905 : vector<16x32xf32>
    %slice3A_949 = vector.extract_strided_slice %mul3A_927 {offsets = [0, 0], sizes = [16, 32], strides = [1, 1]} : vector<32x32xf32> to vector<16x32xf32>
    %add3A_950 = arith.addf %mul3A_948, %slice3A_949 : vector<16x32xf32>
    %slice3A_951 = vector.extract_strided_slice %mul3A_927 {offsets = [16, 0], sizes = [16, 32], strides = [1, 1]} : vector<32x32xf32> to vector<16x32xf32>
    %add3A_952 = arith.addf %add3A_950, %slice3A_951 : vector<16x32xf32>
    %mul3A_953 = arith.constant 5.000000e-01 : f32
    %mul3A_954 = vector.broadcast %mul3A_953 : f32 to vector<16x32xf32>
    %mul3A_955 = arith.mulf %mul3A_954, %add3A_952 : vector<16x32xf32>
    %tanh3A_956 = math.tanh %mul3A_955 : vector<16x32xf32>
    %mul3A_957 = arith.mulf %add3A_947, %tanh3A_956 : vector<16x32xf32>
    %reshape3A_958 = vector.shape_cast %mul3A_957 : vector<16x32xf32> to vector<2x8x32xf32>
    %reduce_sum3A_959 = arith.constant dense<0.000000e+00> : vector<8x32xf32>
    %reduce_sum3A_960 = vector.multi_reduction <add>, %reshape3A_958, %reduce_sum3A_959 [0] : vector<2x8x32xf32> to vector<8x32xf32>
    %add3A_961 = arith.addf %add3A_859, %reduce_sum3A_960 : vector<8x32xf32>
    %get3A_962 = arith.constant 2046 : index
    %get3A_963 = arith.constant 0 : index
    %get3A_964 = arith.constant 0 : index
    %get3A_965 = vector.load %arg1[%get3A_962, %get3A_963, %get3A_964] : memref<2047x8x128xf32, #tpu.memory_space<vmem>>, vector<1x8x128xf32>
    %reshape3A_966 = vector.shape_cast %get3A_965 : vector<1x8x128xf32> to vector<8x128xf32>
    %convert_element_type3A_967 = arith.truncf %reshape3A_966 : vector<8x128xf32> to vector<8x128xbf16>
    %slice3A_968 = vector.extract_strided_slice %mul3A_957 {offsets = [0, 0], sizes = [8, 32], strides = [1, 1]} : vector<16x32xf32> to vector<8x32xf32>
    %slice3A_969 = vector.extract_strided_slice %mul3A_957 {offsets = [8, 0], sizes = [8, 32], strides = [1, 1]} : vector<16x32xf32> to vector<8x32xf32>
    %add3A_970 = arith.addf %slice3A_968, %slice3A_969 : vector<8x32xf32>
    %get3A_971 = arith.constant 0 : index
    %get3A_972 = arith.constant 0 : index
    %get3A_973 = vector.load %arg2[%get3A_971, %get3A_972] : memref<128x32xbf16, #tpu.memory_space<vmem>>, vector<128x32xbf16>
    %dot_general3A_974 = arith.constant dense<0.000000e+00> : vector<8x32xf32>
    %dot_general3A_975 = tpu.matmul %convert_element_type3A_967, %get3A_973, %dot_general3A_974 {dimension_numbers = #tpu.dot_dimension_numbers<[1], [0], [0], [1], [0, 0, 1, 1], [], []>, transpose_lhs_hint = false} : vector<8x128xbf16>, vector<128x32xbf16>, vector<8x32xf32> -> vector<8x32xf32>
    %get3A_976 = arith.constant 0 : index
    %get3A_977 = arith.constant 0 : index
    %get3A_978 = vector.load %arg6[%get3A_976, %get3A_977] : memref<1x32xf32, #tpu.memory_space<vmem>>, vector<1x32xf32>
    %add3A_979 = vector.broadcast %get3A_978 : vector<1x32xf32> to vector<8x32xf32>
    %add3A_980 = arith.addf %dot_general3A_975, %add3A_979 : vector<8x32xf32>
    %get3A_981 = arith.constant 0 : index
    %get3A_982 = arith.constant 0 : index
    %get3A_983 = vector.load %arg10[%get3A_981, %get3A_982] : memref<32x32xf32, #tpu.memory_space<vmem>>, vector<32x32xf32>
    %dot_general3A_984 = arith.constant dense<0.000000e+00> : vector<8x32xf32>
    %dot_general3A_985 = tpu.matmul %add3A_970, %get3A_983, %dot_general3A_984 {dimension_numbers = #tpu.dot_dimension_numbers<[1], [0], [0], [1], [0, 0, 1, 1], [], []>, transpose_lhs_hint = false} : vector<8x32xf32>, vector<32x32xf32>, vector<8x32xf32> -> vector<8x32xf32>
    %add3A_986 = arith.addf %add3A_980, %dot_general3A_985 : vector<8x32xf32>
    %tanh3A_987 = math.tanh %add3A_986 : vector<8x32xf32>
    %add3A_988 = arith.constant 1.000000e+00 : f32
    %add3A_989 = vector.broadcast %add3A_988 : f32 to vector<8x32xf32>
    %add3A_990 = arith.addf %add3A_989, %tanh3A_987 : vector<8x32xf32>
    %get3A_991 = arith.constant 0 : index
    %get3A_992 = arith.constant 0 : index
    %get3A_993 = vector.load %arg4[%get3A_991, %get3A_992] : memref<128x32xbf16, #tpu.memory_space<vmem>>, vector<128x32xbf16>
    %dot_general3A_994 = arith.constant dense<0.000000e+00> : vector<8x32xf32>
    %dot_general3A_995 = tpu.matmul %convert_element_type3A_967, %get3A_993, %dot_general3A_994 {dimension_numbers = #tpu.dot_dimension_numbers<[1], [0], [0], [1], [0, 0, 1, 1], [], []>, transpose_lhs_hint = false} : vector<8x128xbf16>, vector<128x32xbf16>, vector<8x32xf32> -> vector<8x32xf32>
    %get3A_996 = arith.constant 0 : index
    %get3A_997 = arith.constant 0 : index
    %get3A_998 = vector.load %arg8[%get3A_996, %get3A_997] : memref<1x32xf32, #tpu.memory_space<vmem>>, vector<1x32xf32>
    %add3A_999 = vector.broadcast %get3A_998 : vector<1x32xf32> to vector<8x32xf32>
    %add3A_1000 = arith.addf %dot_general3A_995, %add3A_999 : vector<8x32xf32>
    %get3A_1001 = arith.constant 0 : index
    %get3A_1002 = arith.constant 0 : index
    %get3A_1003 = vector.load %arg12[%get3A_1001, %get3A_1002] : memref<32x32xf32, #tpu.memory_space<vmem>>, vector<32x32xf32>
    %dot_general3A_1004 = arith.constant dense<0.000000e+00> : vector<8x32xf32>
    %dot_general3A_1005 = tpu.matmul %add3A_970, %get3A_1003, %dot_general3A_1004 {dimension_numbers = #tpu.dot_dimension_numbers<[1], [0], [0], [1], [0, 0, 1, 1], [], []>, transpose_lhs_hint = false} : vector<8x32xf32>, vector<32x32xf32>, vector<8x32xf32> -> vector<8x32xf32>
    %add3A_1006 = arith.addf %add3A_1000, %dot_general3A_1005 : vector<8x32xf32>
    %tanh3A_1007 = math.tanh %add3A_1006 : vector<8x32xf32>
    %get3A_1008 = arith.constant 0 : index
    %get3A_1009 = arith.constant 0 : index
    %get3A_1010 = vector.load %arg5[%get3A_1008, %get3A_1009] : memref<128x32xbf16, #tpu.memory_space<vmem>>, vector<128x32xbf16>
    %dot_general3A_1011 = arith.constant dense<0.000000e+00> : vector<8x32xf32>
    %dot_general3A_1012 = tpu.matmul %convert_element_type3A_967, %get3A_1010, %dot_general3A_1011 {dimension_numbers = #tpu.dot_dimension_numbers<[1], [0], [0], [1], [0, 0, 1, 1], [], []>, transpose_lhs_hint = false} : vector<8x128xbf16>, vector<128x32xbf16>, vector<8x32xf32> -> vector<8x32xf32>
    %get3A_1013 = arith.constant 0 : index
    %get3A_1014 = arith.constant 0 : index
    %get3A_1015 = vector.load %arg9[%get3A_1013, %get3A_1014] : memref<1x32xf32, #tpu.memory_space<vmem>>, vector<1x32xf32>
    %add3A_1016 = vector.broadcast %get3A_1015 : vector<1x32xf32> to vector<8x32xf32>
    %add3A_1017 = arith.addf %dot_general3A_1012, %add3A_1016 : vector<8x32xf32>
    %concatenate3A_1018 = tpu.concatenate %add3A_1017, %add3A_1017 in 0 : vector<8x32xf32>, vector<8x32xf32> -> vector<16x32xf32>
    %get3A_1019 = arith.constant 0 : index
    %get3A_1020 = arith.constant 0 : index
    %get3A_1021 = vector.load %arg13[%get3A_1019, %get3A_1020] : memref<32x32xf32, #tpu.memory_space<vmem>>, vector<32x32xf32>
    %dot_general3A_1022 = arith.constant dense<0.000000e+00> : vector<16x32xf32>
    %dot_general3A_1023 = tpu.matmul %mul3A_957, %get3A_1021, %dot_general3A_1022 {dimension_numbers = #tpu.dot_dimension_numbers<[1], [0], [0], [1], [0, 0, 1, 1], [], []>, transpose_lhs_hint = false} : vector<16x32xf32>, vector<32x32xf32>, vector<16x32xf32> -> vector<16x32xf32>
    %add3A_1024 = arith.addf %concatenate3A_1018, %dot_general3A_1023 : vector<16x32xf32>
    %tanh3A_1025 = math.tanh %add3A_1024 : vector<16x32xf32>
    %add3A_1026 = arith.constant 1.000000e+00 : f32
    %add3A_1027 = vector.broadcast %add3A_1026 : f32 to vector<16x32xf32>
    %add3A_1028 = arith.addf %add3A_1027, %tanh3A_1025 : vector<16x32xf32>
    %mul3A_1029 = arith.mulf %add3A_1028, %mul3A_955 : vector<16x32xf32>
    %get3A_1030 = arith.constant 0 : index
    %get3A_1031 = arith.constant 0 : index
    %get3A_1032 = vector.load %arg3[%get3A_1030, %get3A_1031] : memref<128x32xbf16, #tpu.memory_space<vmem>>, vector<128x32xbf16>
    %dot_general3A_1033 = arith.constant dense<0.000000e+00> : vector<8x32xf32>
    %dot_general3A_1034 = tpu.matmul %convert_element_type3A_967, %get3A_1032, %dot_general3A_1033 {dimension_numbers = #tpu.dot_dimension_numbers<[1], [0], [0], [1], [0, 0, 1, 1], [], []>, transpose_lhs_hint = false} : vector<8x128xbf16>, vector<128x32xbf16>, vector<8x32xf32> -> vector<8x32xf32>
    %get3A_1035 = arith.constant 0 : index
    %get3A_1036 = arith.constant 0 : index
    %get3A_1037 = vector.load %arg7[%get3A_1035, %get3A_1036] : memref<1x32xf32, #tpu.memory_space<vmem>>, vector<1x32xf32>
    %add3A_1038 = vector.broadcast %get3A_1037 : vector<1x32xf32> to vector<8x32xf32>
    %add3A_1039 = arith.addf %dot_general3A_1034, %add3A_1038 : vector<8x32xf32>
    %get3A_1040 = arith.constant 0 : index
    %get3A_1041 = arith.constant 0 : index
    %get3A_1042 = vector.load %arg11[%get3A_1040, %get3A_1041] : memref<32x32xf32, #tpu.memory_space<vmem>>, vector<32x32xf32>
    %dot_general3A_1043 = arith.constant dense<0.000000e+00> : vector<8x32xf32>
    %dot_general3A_1044 = tpu.matmul %add3A_970, %get3A_1042, %dot_general3A_1043 {dimension_numbers = #tpu.dot_dimension_numbers<[1], [0], [0], [1], [0, 0, 1, 1], [], []>, transpose_lhs_hint = false} : vector<8x32xf32>, vector<32x32xf32>, vector<8x32xf32> -> vector<8x32xf32>
    %add3A_1045 = arith.addf %add3A_1039, %dot_general3A_1044 : vector<8x32xf32>
    %tanh3A_1046 = math.tanh %add3A_1045 : vector<8x32xf32>
    %add3A_1047 = arith.constant 1.000000e+00 : f32
    %add3A_1048 = vector.broadcast %add3A_1047 : f32 to vector<8x32xf32>
    %add3A_1049 = arith.addf %add3A_1048, %tanh3A_1046 : vector<8x32xf32>
    %mul3A_1050 = arith.mulf %add3A_990, %tanh3A_1007 : vector<8x32xf32>
    %slice3A_1051 = vector.extract_strided_slice %mul3A_1029 {offsets = [0, 0], sizes = [8, 32], strides = [1, 1]} : vector<16x32xf32> to vector<8x32xf32>
    %add3A_1052 = arith.addf %mul3A_1050, %slice3A_1051 : vector<8x32xf32>
    %slice3A_1053 = vector.extract_strided_slice %mul3A_1029 {offsets = [8, 0], sizes = [8, 32], strides = [1, 1]} : vector<16x32xf32> to vector<8x32xf32>
    %add3A_1054 = arith.addf %add3A_1052, %slice3A_1053 : vector<8x32xf32>
    %mul3A_1055 = arith.constant 5.000000e-01 : f32
    %mul3A_1056 = vector.broadcast %mul3A_1055 : f32 to vector<8x32xf32>
    %mul3A_1057 = arith.mulf %mul3A_1056, %add3A_1054 : vector<8x32xf32>
    %tanh3A_1058 = math.tanh %mul3A_1057 : vector<8x32xf32>
    %mul3A_1059 = arith.mulf %add3A_1049, %tanh3A_1058 : vector<8x32xf32>
    %reshape3A_1060 = vector.shape_cast %mul3A_1059 : vector<8x32xf32> to vector<1x8x32xf32>
    %reduce_sum3A_1061 = arith.constant dense<0.000000e+00> : vector<8x32xf32>
    %reduce_sum3A_1062 = vector.multi_reduction <add>, %reshape3A_1060, %reduce_sum3A_1061 [0] : vector<1x8x32xf32> to vector<8x32xf32>
    %add3A_1063 = arith.addf %add3A_961, %reduce_sum3A_1062 : vector<8x32xf32>
    %mul3A_1064 = arith.constant 2.44259892E-4 : f32
    %mul3A_1065 = vector.broadcast %mul3A_1064 : f32 to vector<8x32xf32>
    %mul3A_1066 = arith.mulf %add3A_1063, %mul3A_1065 : vector<8x32xf32>
    %max3A = arith.constant 0.000000e+00 : f32
    %max3A_1067 = vector.broadcast %max3A : f32 to vector<8x32xf32>
    %max3A_1068 = arith.maximumf %mul3A_1066, %max3A_1067 : vector<8x32xf32>
    %get3A_1069 = arith.constant 0 : index
    %get3A_1070 = arith.constant 0 : index
    %get3A_1071 = vector.load %arg14[%get3A_1069, %get3A_1070] : memref<32x32xf32, #tpu.memory_space<vmem>>, vector<32x32xf32>
    %dot_general3A_1072 = arith.constant dense<0.000000e+00> : vector<8x32xf32>
    %dot_general3A_1073 = tpu.matmul %max3A_1068, %get3A_1071, %dot_general3A_1072 {dimension_numbers = #tpu.dot_dimension_numbers<[1], [0], [0], [1], [0, 0, 1, 1], [], []>, transpose_lhs_hint = false} : vector<8x32xf32>, vector<32x32xf32>, vector<8x32xf32> -> vector<8x32xf32>
    %get3A_1074 = arith.constant 0 : index
    %get3A_1075 = arith.constant 0 : index
    %get3A_1076 = vector.load %arg15[%get3A_1074, %get3A_1075] : memref<1x32xf32, #tpu.memory_space<vmem>>, vector<1x32xf32>
    %add3A_1077 = vector.broadcast %get3A_1076 : vector<1x32xf32> to vector<8x32xf32>
    %add3A_1078 = arith.addf %dot_general3A_1073, %add3A_1077 : vector<8x32xf32>
    %max3A_1079 = arith.constant 0.000000e+00 : f32
    %max3A_1080 = vector.broadcast %max3A_1079 : f32 to vector<8x32xf32>
    %max3A_1081 = arith.maximumf %add3A_1078, %max3A_1080 : vector<8x32xf32>
    %get3A_1082 = arith.constant 0 : index
    %get3A_1083 = arith.constant 0 : index
    %get3A_1084 = vector.load %arg16[%get3A_1082, %get3A_1083] : memref<32x32xf32, #tpu.memory_space<vmem>>, vector<32x32xf32>
    %dot_general3A_1085 = arith.constant dense<0.000000e+00> : vector<8x32xf32>
    %dot_general3A_1086 = tpu.matmul %max3A_1081, %get3A_1084, %dot_general3A_1085 {dimension_numbers = #tpu.dot_dimension_numbers<[1], [0], [0], [1], [0, 0, 1, 1], [], []>, transpose_lhs_hint = false} : vector<8x32xf32>, vector<32x32xf32>, vector<8x32xf32> -> vector<8x32xf32>
    %get3A_1087 = arith.constant 0 : index
    %get3A_1088 = arith.constant 0 : index
    %get3A_1089 = vector.load %arg17[%get3A_1087, %get3A_1088] : memref<1x32xf32, #tpu.memory_space<vmem>>, vector<1x32xf32>
    %add3A_1090 = vector.broadcast %get3A_1089 : vector<1x32xf32> to vector<8x32xf32>
    %add3A_1091 = arith.addf %dot_general3A_1086, %add3A_1090 : vector<8x32xf32>
    %max3A_1092 = arith.constant 0.000000e+00 : f32
    %max3A_1093 = vector.broadcast %max3A_1092 : f32 to vector<8x32xf32>
    %max3A_1094 = arith.maximumf %add3A_1091, %max3A_1093 : vector<8x32xf32>
    %get3A_1095 = arith.constant 0 : index
    %get3A_1096 = arith.constant 0 : index
    %get3A_1097 = vector.load %arg18[%get3A_1095, %get3A_1096] : memref<32x1xf32, #tpu.memory_space<vmem>>, vector<32x1xf32>
    %dot_general3A_1098 = arith.constant dense<0.000000e+00> : vector<8x1xf32>
    %dot_general3A_1099 = tpu.matmul %max3A_1094, %get3A_1097, %dot_general3A_1098 {dimension_numbers = #tpu.dot_dimension_numbers<[1], [0], [0], [1], [0, 0, 1, 1], [], []>, transpose_lhs_hint = false} : vector<8x32xf32>, vector<32x1xf32>, vector<8x1xf32> -> vector<8x1xf32>
    %get3A_1100 = arith.constant 0 : index
    %get3A_1101 = arith.constant 0 : index
    %get3A_1102 = vector.load %arg19[%get3A_1100, %get3A_1101] : memref<1x1xf32, #tpu.memory_space<vmem>>, vector<1x1xf32>
    %add3A_1103 = vector.broadcast %get3A_1102 : vector<1x1xf32> to vector<8x1xf32>
    %add3A_1104 = arith.addf %dot_general3A_1099, %add3A_1103 : vector<8x1xf32>
    %swap3A = arith.constant 0 : index
    %swap3A_1105 = arith.constant 0 : index
    %swap3A_1106 = vector.load %arg20[%swap3A, %swap3A_1105] : memref<8x1xf32, #tpu.memory_space<vmem>>, vector<8x1xf32>
    tpu.vector_store %arg20[%swap3A, %swap3A_1105], %add3A_1104 {strides = array<i32>} : memref<8x1xf32, #tpu.memory_space<vmem>>, vector<8x1xf32>,
    return
  }
  func.func @transform_0(%arg0: i32) -> (i32, i32, i32) {
    %c0_i32 = arith.constant 0 : i32
    %c0_i32_0 = arith.constant 0 : i32
    %c0_i32_1 = arith.constant 0 : i32
    return %c0_i32, %arg0, %c0_i32_0 : i32, i32, i32
  }
  func.func @transform_1(%arg0: i32) -> (i32, i32) {
    %c0_i32 = arith.constant 0 : i32
    %c0_i32_0 = arith.constant 0 : i32
    %c0_i32_1 = arith.constant 0 : i32
    return %c0_i32, %c0_i32_0 : i32, i32
  }
  func.func @transform_2(%arg0: i32) -> (i32, i32) {
    %c0_i32 = arith.constant 0 : i32
    %c0_i32_0 = arith.constant 0 : i32
    %c0_i32_1 = arith.constant 0 : i32
    return %c0_i32, %c0_i32_0 : i32, i32
  }
  func.func @transform_3(%arg0: i32) -> (i32, i32) {
    %c0_i32 = arith.constant 0 : i32
    %c0_i32_0 = arith.constant 0 : i32
    %c0_i32_1 = arith.constant 0 : i32
    return %c0_i32, %c0_i32_0 : i32, i32
  }
  func.func @transform_4(%arg0: i32) -> (i32, i32) {
    %c0_i32 = arith.constant 0 : i32
    %c0_i32_0 = arith.constant 0 : i32
    %c0_i32_1 = arith.constant 0 : i32
    return %c0_i32, %c0_i32_0 : i32, i32
  }
  func.func @transform_5(%arg0: i32) -> (i32, i32) {
    %c0_i32 = arith.constant 0 : i32
    %c0_i32_0 = arith.constant 0 : i32
    %c0_i32_1 = arith.constant 0 : i32
    return %c0_i32, %c0_i32_0 : i32, i32
  }
  func.func @transform_6(%arg0: i32) -> (i32, i32) {
    %c0_i32 = arith.constant 0 : i32
    %c0_i32_0 = arith.constant 0 : i32
    %c0_i32_1 = arith.constant 0 : i32
    return %c0_i32, %c0_i32_0 : i32, i32
  }
  func.func @transform_7(%arg0: i32) -> (i32, i32) {
    %c0_i32 = arith.constant 0 : i32
    %c0_i32_0 = arith.constant 0 : i32
    %c0_i32_1 = arith.constant 0 : i32
    return %c0_i32, %c0_i32_0 : i32, i32
  }
  func.func @transform_8(%arg0: i32) -> (i32, i32) {
    %c0_i32 = arith.constant 0 : i32
    %c0_i32_0 = arith.constant 0 : i32
    %c0_i32_1 = arith.constant 0 : i32
    return %c0_i32, %c0_i32_0 : i32, i32
  }
  func.func @transform_9(%arg0: i32) -> (i32, i32) {
    %c0_i32 = arith.constant 0 : i32
    %c0_i32_0 = arith.constant 0 : i32
    %c0_i32_1 = arith.constant 0 : i32
    return %c0_i32, %c0_i32_0 : i32, i32
  }
  func.func @transform_10(%arg0: i32) -> (i32, i32) {
    %c0_i32 = arith.constant 0 : i32
    %c0_i32_0 = arith.constant 0 : i32
    %c0_i32_1 = arith.constant 0 : i32
    return %c0_i32, %c0_i32_0 : i32, i32
  }
  func.func @transform_11(%arg0: i32) -> (i32, i32) {
    %c0_i32 = arith.constant 0 : i32
    %c0_i32_0 = arith.constant 0 : i32
    %c0_i32_1 = arith.constant 0 : i32
    return %c0_i32, %c0_i32_0 : i32, i32
  }
  func.func @transform_12(%arg0: i32) -> (i32, i32) {
    %c0_i32 = arith.constant 0 : i32
    %c0_i32_0 = arith.constant 0 : i32
    %c0_i32_1 = arith.constant 0 : i32
    return %c0_i32, %c0_i32_0 : i32, i32
  }
  func.func @transform_13(%arg0: i32) -> (i32, i32) {
    %c0_i32 = arith.constant 0 : i32
    %c0_i32_0 = arith.constant 0 : i32
    %c0_i32_1 = arith.constant 0 : i32
    return %c0_i32, %c0_i32_0 : i32, i32
  }
  func.func @transform_14(%arg0: i32) -> (i32, i32) {
    %c0_i32 = arith.constant 0 : i32
    %c0_i32_0 = arith.constant 0 : i32
    %c0_i32_1 = arith.constant 0 : i32
    return %c0_i32, %c0_i32_0 : i32, i32
  }
  func.func @transform_15(%arg0: i32) -> (i32, i32) {
    %c0_i32 = arith.constant 0 : i32
    %c0_i32_0 = arith.constant 0 : i32
    %c0_i32_1 = arith.constant 0 : i32
    return %c0_i32, %c0_i32_0 : i32, i32
  }
  func.func @transform_16(%arg0: i32) -> (i32, i32) {
    %c0_i32 = arith.constant 0 : i32
    %c0_i32_0 = arith.constant 0 : i32
    %c0_i32_1 = arith.constant 0 : i32
    return %c0_i32, %c0_i32_0 : i32, i32
  }
  func.func @transform_17(%arg0: i32) -> (i32, i32) {
    %c0_i32 = arith.constant 0 : i32
    %c0_i32_0 = arith.constant 0 : i32
    %c0_i32_1 = arith.constant 0 : i32
    return %c0_i32, %c0_i32_0 : i32, i32
  }
  func.func @transform_18(%arg0: i32) -> (i32, i32) {
    %c0_i32 = arith.constant 0 : i32
    %c0_i32_0 = arith.constant 0 : i32
    %c0_i32_1 = arith.constant 0 : i32
    return %c0_i32, %c0_i32_0 : i32, i32
  }
  func.func @transform_19(%arg0: i32) -> (i32, i32) {
    %c0_i32 = arith.constant 0 : i32
    %c0_i32_0 = arith.constant 0 : i32
    return %arg0, %c0_i32 : i32, i32
  }
}

</mosaic_0001>

<sc_bundles>
// kernel: gather_offload_async_start.1
scs
__scs_entry_jumppad:
0x0: {  	(pc) =	sbr.rel $0x88, $3  }
0x1: {  	(tag) =	ssettag $0x0;
	lr =	simm.s32 $0x1  }
0x2: {  	[smem:$0x3F94] =	sst lr;
	_ =	strace $0xD0000000  }
0x3: {  	_ = 	snop  }
0x4: {  	_ = 	snop  }
0x5: {  	_ = 	snop  }
0x6: {  	_ = 	snop  }
0x7: {  	_ = 	snop  }
__scs_overlays_trampoline_lowered:
0x8: {  	[smem:$0x3FA3] =	sst s0  }
0x9: {  	[smem:$0x3FA4] =	sst s1  }
0xa: {  	[smem:$0x3FA5] =	sst s2  }
0xb: {  	[smem:$0x3FA6] =	sst s3  }
0xc: {  	[smem:$0x3FA7] =	sst s4  }
0xd: {  	[smem:$0x3FA8] =	sst s5  }
0xe: {  	[smem:$0x3FA9] =	sst s6  }
0xf: {  	[smem:$0x3FAA] =	sst s7  }
0x10: {  	[smem:$0x3FAB] =	sst s8  }
0x11: {  	[smem:$0x3FAC] =	sst s9;
	s0 =	simm.s32 @!p0 $0x0  }
0x12: {  	s1 =	sld [smem:$0x3F92];
	s0 =	simm.s32 @p0 $0x1  }
0x13: {  	[smem:$0x3FAD] =	sst s0;
	s0 =	simm.s32 @!p1 $0x0  }
0x14: {  	s2 =	sld [smem:$0x3F91];
	s0 =	simm.s32 @p1 $0x1  }
0x15: {  	[smem:$0x3FAE] =	sst s0;
	s0 =	simm.s32 @!p2 $0x0  }
0x16: {  	s3 =	sld [smem:$0x3FDB];
	s0 =	simm.s32 @p2 $0x1  }
0x17: {  	s4 =	simm.s32 $0x1BF5;
	[smem:$0x3FB0] =	sst s0  }
0x18: {  	s0 =	sld [smem:$0x3F93];
	_ =	swait.ge [sflag:s4], $0x0  }
0x19: {  	s7 =	sld [smem:$0x3F94]  }
0x1a: {  	s8 =	sadd.s32 $0xFFFFE003, lr  }
0x1b: {  	s9 =	sadd.s32 $0xFFFFFEF7, lr;
	s5 =	simm.s32 $0xFFFFFFFF;
	p2 =	slt.u32 s8, $0xFFFFF086  }
0x1c: {  	p1 =	slt.u32 s9, $0xF7A;
	s5 =	simm.s32 @!p2 $0x0  }
0x1d: {  	s5 =	simm.s32 @p1 $0x1;
	p0 =	seq.s32 s7, s2  }
0x1e: {  	s7 =	smul.u32 @!p0 $0xF7A, s2;
	p2 =	seq.s32 @!p0 s5, $0x0  }
0x1f: {  	s9 =	smul.u32 $0xF7A, s1;
	s8 =	simm.s32 @!p0 $0x1BF5;
	p2 =	por !p2, p0  }
0x20: {  	[sflag:s8] =	ssyncset.s32 @!p0 $0xFFFFF086;
	s6 =	sadd.s32 @!p0 s3, s7;
	s7 =	simm.s32 @!p0 $0x108  }
0x21: {  	s3 =	sadd.s32 s3, s9;
	s6 =	sadd.s32 @!p0 $0x88, s6;
	s7 =	simm.s32 @p2 $0x1082  }
0x22: {  	[simem:s7], [sflag:s8] =	dma.local @!p0 [hbm:s6], $0xF7A  }
0x23: {  	s9 =	sor.u32 $0xD0000000, s2;
	s6 =	simm.s32 $0x108;
	_ =	swait.ge @!p0 [sflag:s8], $0x0  }
0x24: {  	s3 =	sadd.s32 $0x88, s3;
	s6 =	simm.s32 @!p1 $0x1082;
	[sflag:s4] =	ssyncset.s32 $0xFFFFF086  }
0x25: {  	[simem:s6], [sflag:s4] =	dma.local [hbm:s3], $0xF7A  }
0x26: {  	[smem:$0x3F94] =	sst s1;
	(tag) =	ssettag s2;
	_ =	strace s9  }
0x27: {  	s1 =	sld [smem:$0x3FA4]  }
0x28: {  	s2 =	sld [smem:$0x3FA5]  }
0x29: {  	s4 =	sld [smem:$0x3FA7]  }
0x2a: {  	p0 =	seq.s32 s5, $0x0;
	s5 =	sld [smem:$0x3FA8]  }
0x2b: {  	s6 =	sld [smem:$0x3FA9]  }
0x2c: {  	s7 =	sld [smem:$0x3FAA]  }
0x2d: {  	s3 =	simm.s32 $0x108;
	s8 =	sld [smem:$0x3FAB]  }
0x2e: {  	s3 =	simm.s32 @!p0 $0x1082;
	s9 =	sld [smem:$0x3FAC]  }
0x2f: {  	lr =	sadd.s32 s0, s3;
	s0 =	sld [smem:$0x3FA3]  }
0x30: {  	s3 =	sld [smem:$0x3FA6]  }
0x31: {  	[smem:$0x3FAF] =	sst s10  }
0x32: {  	s10 =	sld [smem:$0x3FAD];
	_ =	sdelay $0x3  }
0x33: {  	p0 =	seq.s32 s10, $0x1;
	s10 =	sld [smem:$0x3FAF];
	_ =	sdelay $0x3  }
0x34: {  	[smem:$0x3FAF] =	sst s10  }
0x35: {  	s10 =	sld [smem:$0x3FAE];
	_ =	sdelay $0x3  }
0x36: {  	p1 =	seq.s32 s10, $0x1;
	s10 =	sld [smem:$0x3FAF];
	_ =	sdelay $0x3  }
0x37: {  	[smem:$0x3FAF] =	sst s10  }
0x38: {  	s10 =	sld [smem:$0x3FB0]  }
0x39: {  	_ = 	snop;
	(pc) =	sbr.ind lr, $3  }
0x3a: {  	_ = 	snop  }
0x3b: {  	_ = 	snop  }
0x3c: {  	p2 =	seq.s32 s10, $0x1;
	s10 =	sld [smem:$0x3FAF]  }
0x3d: {  	_ =	shalt  }
0x3e: {  	_ =	shalt  }
0x3f: {  	_ =	shalt  }
0x40: {  	_ =	shalt  }
0x41: {  	_ =	shalt  }
0x42: {  	_ =	shalt  }
0x43: {  	_ =	shalt  }
0x44: {  	_ =	shalt  }
0x45: {  	_ =	shalt  }
0x46: {  	_ =	shalt  }
0x47: {  	_ =	shalt  }
0x48: {  	_ =	shalt  }
0x49: {  	_ =	shalt  }
0x4a: {  	_ =	shalt  }
0x4b: {  	_ =	shalt  }
0x4c: {  	_ =	shalt  }
0x4d: {  	_ =	shalt  }
0x4e: {  	_ =	shalt  }
0x4f: {  	_ =	shalt  }
0x50: {  	_ =	shalt  }
0x51: {  	_ =	shalt  }
0x52: {  	_ =	shalt  }
0x53: {  	_ =	shalt  }
0x54: {  	_ =	shalt  }
0x55: {  	_ =	shalt  }
0x56: {  	_ =	shalt  }
0x57: {  	_ =	shalt  }
0x58: {  	_ =	shalt  }
0x59: {  	_ =	shalt  }
0x5a: {  	_ =	shalt  }
0x5b: {  	_ =	shalt  }
0x5c: {  	_ =	shalt  }
0x5d: {  	_ =	shalt  }
0x5e: {  	_ =	shalt  }
0x5f: {  	_ =	shalt  }
0x60: {  	_ =	shalt  }
0x61: {  	_ =	shalt  }
0x62: {  	_ =	shalt  }
0x63: {  	_ =	shalt  }
0x64: {  	_ =	shalt  }
0x65: {  	_ =	shalt  }
0x66: {  	_ =	shalt  }
0x67: {  	_ =	shalt  }
0x68: {  	_ =	shalt  }
0x69: {  	_ =	shalt  }
0x6a: {  	_ =	shalt  }
0x6b: {  	_ =	shalt  }
0x6c: {  	_ =	shalt  }
0x6d: {  	_ =	shalt  }
0x6e: {  	_ =	shalt  }
0x6f: {  	_ =	shalt  }
0x70: {  	_ =	shalt  }
0x71: {  	_ =	shalt  }
0x72: {  	_ =	shalt  }
0x73: {  	_ =	shalt  }
0x74: {  	_ =	shalt  }
0x75: {  	_ =	shalt  }
0x76: {  	_ =	shalt  }
0x77: {  	_ =	shalt  }
0x78: {  	_ =	shalt  }
0x79: {  	_ =	shalt  }
0x7a: {  	_ =	shalt  }
0x7b: {  	_ =	shalt  }
0x7c: {  	_ =	shalt  }
0x7d: {  	_ =	shalt  }
0x7e: {  	_ =	shalt  }
0x7f: {  	_ =	shalt  }
0x80: {  	_ =	shalt  }
0x81: {  	_ =	shalt  }
0x82: {  	_ =	shalt  }
0x83: {  	_ =	shalt  }
0x84: {  	_ =	shalt  }
0x85: {  	_ =	shalt  }
0x86: {  	_ =	shalt  }
0x87: {  	_ =	shalt  }
.Lfunc_end0:
.L_simem_size_0:
called_computation.1_lowered:
.L_overlay_start_0:
0x88: {  	s2 =	sld [smem:$0x3FD9]  }
0x89: {  	s3 =	sld [smem:$0x3FFE];
	_ =	sdelay $0x1  }
0x8a: {  	s1 =	srdreg.scid  }
0x8b: {  	s0 =	sand.u32 $0x1, s1  }
0x8c: {  	s17 =	sshll.u32 s0, $0xA;
	s2 =	sadd.s32 s3, s2  }
0x8d: {  	s2 =	sadd.s32 s2, s17  }
0x8e: {  	[smem:$0x3FBB] =	sst s2  }
0x8f: {  	_ = 	snop  }
0x90: {  	s18 =	sld [smem:$0x3FC9];
	(tm) =	ssettm $0x1  }
0x91: {  	s19 =	sld [smem:$0x3FFB];
	_ =	sdelay $0x3  }
0x92: {  	_ =	strace s19  }
0x93: {  	s2 =	sld [smem:$0x3FFC];
	_ =	sdelay $0x3  }
0x94: {  	_ =	strace s2  }
0x95: {  	s2 =	sld [smem:$0x3FFD];
	_ =	sdelay $0x3  }
0x96: {  	_ =	strace s2  }
0x97: {  	_ =	strace $0x8FFFFFFF  }
0x98: {  	s20 =	sld [smem:$0x3FDB];
	_ =	sdelay $0x1  }
0x99: {  	s4 =	simm.s32 $_scs_section_size  }
0x9a: {  	s5 =	simm.s32 $_size__tile_overlayer_lowered;
	s6 =	simm.s32 $_tile_overlayer_lowered  }
0x9b: {  	s7 =	simm.s32 $0x1BFF;
	s21 =	sshll.u32 s6, $0x1;
	s4 =	sadd.s32 s4, s20  }
0x9c: {  	s22 =	simm.s32 $0x0;
	s5 =	sshll.u32 s5, $0x1;
	s6 =	sadd.s32 s21, s4  }
0x9d: {  	[timem:s22], [sflag:s7] =	dma.local [hbm:s6], s5  }
0x9e: {  	_ =	swait.ge [sflag:s7], s5  }
0x9f: {  	s5 =	ssub.s32 $0x0, s5;
	[sflag:s7] =	ssyncset.done $0x0  }
0xa0: {  	[sflag:s7] =	ssyncadd.s32 s5;
	_ =	sdelay $0x1  }
0xa1: {  	s23 =	simm.s32 $0x1B8B  }
0xa2: {  	_ =	swait.ge [sflag:s23], $0x1  }
0xa3: {  	[sflag:s23] =	ssyncset.done $0x0  }
0xa4: {  	[sflag:s23] =	ssyncadd.s32 $0xFFFFFFFF  }
0xa5: {  	s5 =	sld [smem:$0x0]  }
0xa6: {  	s6 =	sand.u32 $0xFFFFFFFE, s1  }
0xa7: {  	p0 =	sne.s32 s1, s6  }
0xa8: {  	s6 =	sshll.u32 @p0 s6, $0xE  }
0xa9: {  	s6 =	sadd.s32 @p0 $0x11B8D, s6;
	s7 =	sshll.u32 @p0 s5, $0x11  }
0xaa: {  	s6 =	sor.u32 @p0 s7, s6  }
0xab: {  	[sflag:s6] =	ssyncadd.remote.s32 @p0 $0x1;
	_ =	sdelay $0x1  }
0xac: {  	s6 =	simm.s32 @p0 $0x1B8D  }
0xad: {  	_ =	swait.eq @p0 [sflag:s6], $0x1  }
0xae: {  	[sflag:s6] =	ssyncadd.s32 @p0 $0xFFFFFFFF  }
0xaf: {  	s7 =	sshll.u32 @!p0 s1, $0xE  }
0xb0: {  	s7 =	sor.u32 @!p0 $0x4000, s7;
	s6 =	simm.s32 @!p0 $0x1B8D  }
0xb1: {  	s5 =	sshll.u32 @!p0 s5, $0x11;
	s7 =	sadd.s32 @!p0 $0x11B8D, s7;
	_ =	swait.eq @!p0 [sflag:s6], $0x1  }
0xb2: {  	s5 =	sor.u32 @!p0 s5, s7;
	[sflag:s6] =	ssyncadd.s32 @!p0 $0xFFFFFFFF  }
0xb3: {  	s25 =	simm.s32 $0x1B8E;
	s24 =	sld [smem:$0x3FFE];
	[sflag:s5] =	ssyncadd.remote.s32 @!p0 $0x1  }
0xb4: {  	s26 =	simm.s32 $execute0_lowered;
	[smem:$0x3FD2] =	sst s25  }
0xb5: {  	s6 =	sshll.u32 s26, $0x1;
	_ =	strace $0x80000049;
	[dreg:$0x1] =	wrdreg $0xFFFFFFFF  }
0xb6: {  	s28 =	simm.s32 $_size_execute0_lowered;
	s4 =	sadd.s32 s4, s6;
	[dreg:$0x0] =	wrdreg $0x0  }
0xb7: {  	s6 =	sshll.u32 s28, $0x1;
	[dreg:$0x2] =	wrdreg s4  }
0xb8: {  	[dreg:$0x3] =	wrdreg s6  }
0xb9: {  	[dreg:$0x4] =	wrdreg $0xC0  }
0xba: {  	_ =	task [dreg:s22], $0x5FFFF  }
0xbb: {  	[dreg:$0x1] =	wrdreg $0xFFFFFFFF  }
0xbc: {  	[dreg:$0x0] =	wrdreg $0x60  }
0xbd: {  	[dreg:$0x2] =	wrdreg s18  }
0xbe: {  	[dreg:$0x3] =	wrdreg s24  }
0xbf: {  	[dreg:$0x4] =	wrdreg $0xA  }
0xc0: {  	_ =	task.clear_ibuf [dreg:s22], $0x5FFFF;
	_ =	strace $0x90000049  }
0xc1: {  	s29 =	simm.s32 $0xA;
	_ =	strace $0x8000004B  }
0xc2: {  	_ =	swait.ge [sflag:s29], $0x1  }
0xc3: {  	[sflag:s29] =	ssyncadd.s32 $0xFFFFFFFF  }
0xc4: {  	_ =	strace $0x9000004B  }
0xc5: {  	_ =	sfence  }
0xc6: {  	s30 =	sld [smem:$0x0];
	_ =	sdelay $0x2  }
0xc7: {  	s31 =	sshll.u32 s1, $0xD;
	s1 =	sshrl.u32 s1, $0x2  }
0xc8: {  	s4 =	sand.u32 $0x4000, s31;
	s1 =	sadd.s32 s1, s30  }
0xc9: {  	s0 =	sor.u32 s4, s0;
	s1 =	sshll.u32 s1, $0x11  }
0xca: {  	s0 =	sor.u32 s1, s0  }
0xcb: {  	s0 =	sadd.s32 $0x8F2B, s0  }
0xcc: {  	[sflag:s0] =	ssyncadd.remote.s32 $0x1  }
0xcd: {  	_ =	sfence.sel $0xFFFF  }
0xce: {  	[dreg:$0x0] =	wrdreg $0xFFFFFFFF;
	(pc) =	sbr.abs _section_cstart, $3  }
0xcf: {  	[dreg:$0x1] =	wrdreg $0xFFFFFFFF  }
0xd0: {  	_ =	task.clear_ibuf [dreg:s22], $0x2FFFF;
	_ =	strace $0x9FFFFFFF  }
0xd1: {  	(tm) =	ssettm $0x7FFFFFFF  }
tec
execute0_lowered:
.L_overlay_start_1:
0x0: {  	(tag) =	ssettag $0x1  }
0x1: {  	s0 =	srdreg.scid  }
0x2: {  	s1 =	sshll.u32 s0, $0x4  }
0x3: {  	s0 =	stileid.u32;
	s1 =	sand.u32 $0x10, s1  }
0x4: {  	s2 =	sor.u32 s0, s1  }
0x5: {  	s1 =	smul.u32 $0x5, s2  }
0x6: {  	s3 =	smin.u32 s2, $0x12  }
0x7: {  	s1 =	sadd.s32 s3, s1  }
0x8: {  	p0 =	slt.u32 s2, $0x12;
	s2 =	simm.s32 $0x8A0;
	s1 =	smul.u32 $0x170, s1  }
0x9: {  	s2 =	simm.s32 @!p0 $0x730  }
0xa: {  	s2 =	sadd.s32 s2, s1  }
0xb: {  	s3 =	smin.u32 s2, $0xFFE0  }
0xc: {  	s7 =	ssub.s32 s3, s1  }
0xd: {  	p0 =	sgt.s32 s7, $0x0  }
0xe: {  	s7 =	simm.s32 @!p0 $0x0  }
0xf: {  	s31 =	sand.u32 $0xFFF0, s7  }
0x10: {  	s2 =	sshrl.u32 s31, $0x4  }
0x11: {  	s4 =	rddreg [dreg:$0x0];
	s2 =	smul.u32 $0xB22, s2  }
0x12: {  	s9 =	rddreg [dreg:$0x1];
	s6 =	simm.s32 $0x1  }
0x13: {  	s11 =	simm.s32 $0x3;
	s13 =	simm.s32 $0x0;
	s8 =	sshrl.u32 s2, $0x10  }
0x14: {  	s12 =	simm.s32 $0x0;
	s5 =	sadd.s32 $0x104600, s9;
	s10 =	smul.u32 $0x170, s8  }
.Ltmp0:
0x15: {  	s9 =	sadd.s32 $0x106600, s9;
	s2 =	rddreg [dreg:$0x2];
	(pc) =	sbr.rel .LBB2_1-.Ltmp0, $4  }
0x16: {  	_ =	strace $0x8000004A;
	p0 =	sne.s32 s7, s10;
	s10 =	simm.s32 $0x1  }
0x17: {  	[sflag:s6] =	ssyncpa.u1 $0x0;
	s7 =	simm.s32 $0x2;
	s10 =	simm.s32 @!p0 $0x0  }
0x18: {  	[sflag:s7] =	ssyncpa.u1 $0x0;
	p0 =	por $0x0, $0x0;
	s8 =	sadd.s32 s8, s10  }
0x19: {  	vm0 =	vmmov $0xff;
	vm1 =	vcmask $0x3F20;
	[sflag:s11] =	ssyncpa.u1 $0x0;
	s11 =	smov.u32 s1;
	s10 =	sadd.s32 $0x1, s8  }
.LBB2_6:
0x1a: {  	[hbm:s17] =	stream.linear.scatter [tilespmem:s14], [sflag:$0x3], $0x400, $0x38;
	[tilespmem:$0x172E0] =	vst v63  }
.LBB2_7:
0x1b: {  	s13 =	sadd.s32 $0x170, s11  }
0x1c: {  	s15 =	smov.u32 s1;
	p2 =	slt.s32 s13, s3  }
0x1d: {  	s15 =	smov.u32 @p2 s13;
	p2 =	sne.s32 s12, s10  }
.Ltmp1:
0x1e: {  	p1 =	slt.u32 s12, $0x2;
	(pc) =	sbr.rel @!p2 .LBB2_8-.Ltmp1, $4  }
0x1f: {  	s14 =	simm.s32 @!p1 $0x3  }
0x20: {  	s16 =	sadd.s32 $0x1, s12;
	_ =	swait.ge @!p1 [sflag:s14], $0xB800  }
0x21: {  	p0 =	por !p0, !p0;
	s13 =	smov.u32 s11;
	[sflag:s14] =	ssyncset.done @!p1 $0x0  }
0x22: {  	s12 =	smov.u32 s16;
	s11 =	smov.u32 s15;
	[sflag:s14] =	ssyncadd.s32 @!p1 $0xFFFF4800  }
.LBB2_1:
0x23: {  	p1 =	sge.u32 s12, s8  }
0x24: {  	s14 =	sxor.u32 @!p1 $0xFFFFFFFF, s12  }
0x25: {  	s14 =	sand.u32 @!p1 $0x1, s14  }
0x26: {  	s14 =	smul.u32 @!p1 $0x5C0, s14  }
0x27: {  	s31 =	sadd.s32 $0xFFFFFFFF, s12;
	s15 =	sshrl.u32 @!p1 s11, $0x3  }
0x28: {  	s16 =	sand.u32 @!p1 $0x7, s11;
	s15 =	sadd.s32 @!p1 s5, s15;
	s14 =	sshrl.u32 @!p1 s14, $0x2  }
0x29: {  	[tilespmem:s14], [sflag:$0x2] =	stream.linear.gather @!p1 [hbm4b:s15+s16], $0x170, $0x38;
	[tilespmem:$0x172E0] =	vst v63  }
0x2a: {  	p1 =	sge.u32 s31, s8  }
.Ltmp2:
0x2b: {  	_ = 	snop;
	(pc) =	sbr.rel @p1 .LBB2_7-.Ltmp2, $1  }
0x2c: {  	_ =	sdelay $0x3  }
0x2d: {  	s14 =	simm.s32 $0x1  }
0x2e: {  	s14 =	simm.s32 @!p0 $0x0  }
0x2f: {  	s15 =	smul.u32 $0x5C0, s14  }
0x30: {  	_ =	swait.ge [sflag:s7], $0x170  }
0x31: {  	[sflag:s7] =	ssyncset.done $0x0;
	s16 =	sshrl.u32 s15, $0x2  }
0x32: {  	[sflag:s7] =	ssyncadd.s32 $0xFFFFFE90;
	s15 =	sadd.s32 $0x0, s16  }
0x33: {  	v0 =	vld.msk [tilespmem:s15+$0x0 ss:$0x1], $0xffff;
	_ =	sdelay $0x4  }
0x34: {  	vm2 =	vgt.s32 v0, $0x0  }
0x35: {  	v0 =	vnsel vm2, $0x0, v0  }
0x36: {  	v0 =	vmin.u32 v0, $0x1FFBF  }
0x37: {  	v0 =	vshll.u32 v0, $0x4  }
0x38: {  	s14 =	smul.u32 $0x2E000, s14;
	_ =	sdelay $0x1  }
0x39: {  	s14 =	sshrl.u32 s14, $0x2  }
0x3a: {  	s14 =	sor.u32 $0x2E0, s14  }
0x3b: {  	[tilespmem:s14], [sflag:$0x1] =	stream.indirect_vreg.gather [hbm:s4], $0x80, v0, vm0, $0x38;
	[tilespmem:$0x172E0] =	vst v63  }
0x3c: {  	s17 =	sadd.s32 $0x10, s16;
	s15 =	sadd.s32 $0x400, s14  }
0x3d: {  	[tilespmem:s15], [sflag:$0x1] =	stream.indirect_vreg.gather [hbm:s4], $0x80, v0, vm1, $0x38;
	[tilespmem:$0x172E0] =	vst v63  }
0x3e: {  	s18 =	simm.s32 $0x80;
	v0 =	vld.msk [tilespmem:s17+$0x0 ss:$0x1], $0xffff;
	s17 =	smov.u32 s14  }
.LBB2_3:
0x3f: {  	p1 =	sne.s32 s18, $0x580;
	_ =	sdelay $0x4  }
0x40: {  	vm2 =	vgt.s32 v0, $0x0  }
0x41: {  	v0 =	vnsel vm2, $0x0, v0  }
0x42: {  	v0 =	vmin.u32 v0, $0x1FFBF  }
0x43: {  	v0 =	vshll.u32 v0, $0x4;
	_ =	sdelay $0x3  }
.Ltmp3:
0x44: {  	s19 =	sshra.s32 s18, $0x2;
	s17 =	sadd.s32 $0x800, s17;
	(pc) =	sbr.rel @p1 .LBB2_3-.Ltmp3, $4  }
0x45: {  	[tilespmem:s17], [sflag:$0x1] =	stream.indirect_vreg.gather [hbm:s4], $0x80, v0, vm0, $0x38;
	[tilespmem:$0x172E0] =	vst v63  }
0x46: {  	s19 =	sadd.s32 s19, s16;
	s20 =	sadd.s32 $0x400, s17  }
0x47: {  	[tilespmem:s20], [sflag:$0x1] =	stream.indirect_vreg.gather [hbm:s4], $0x80, v0, vm1, $0x38;
	[tilespmem:$0x172E0] =	vst v63  }
0x48: {  	s18 =	sadd.s32 $0x40, s18;
	v0 =	vld.msk [tilespmem:s19+$0x0 ss:$0x1], $0xffff  }
0x49: {  	_ =	sdelay $0x3  }
0x4a: {  	vm2 =	vgt.s32 v0, $0x0  }
0x4b: {  	v0 =	vnsel vm2, $0x0, v0  }
0x4c: {  	v0 =	vmin.u32 v0, $0x1FFBF  }
0x4d: {  	v0 =	vshll.u32 v0, $0x4;
	_ =	sdelay $0x3  }
0x4e: {  	s16 =	sadd.s32 $0x800, s17  }
0x4f: {  	[tilespmem:s16], [sflag:$0x1] =	stream.indirect_vreg.gather [hbm:s4], $0x80, v0, vm0, $0x38;
	[tilespmem:$0x172E0] =	vst v63  }
0x50: {  	s16 =	sadd.s32 $0x400, s16  }
0x51: {  	[tilespmem:s16], [sflag:$0x1] =	stream.indirect_vreg.gather [hbm:s4], $0x80, v0, vm1, $0x38;
	[tilespmem:$0x172E0] =	vst v63  }
0x52: {  	s13 =	sshll.u32 s13, $0x4;
	_ =	swait.ge [sflag:s6], $0xB800  }
0x53: {  	s13 =	sadd.s32 s13, s9;
	[sflag:s6] =	ssyncset.done $0x0  }
0x54: {  	s17 =	sadd.s32 $0x0, s13;
	s16 =	simm.s32 $0x80;
	[sflag:s6] =	ssyncadd.s32 $0xFFFF4800  }
.LBB2_5:
0x55: {  	[hbm:s17] =	stream.linear.scatter [tilespmem:s14], [sflag:$0x3], $0x400, $0x38;
	[tilespmem:$0x172E0] =	vst v63  }
0x56: {  	s17 =	smov.u32 s16;
	s14 =	smov.u32 s15;
	p1 =	sne.s32 s16, $0x1680  }
.Ltmp4:
0x57: {  	s16 =	sadd.s32 $0x80, s16;
	(pc) =	sbr.rel @p1 .LBB2_5-.Ltmp4, $2  }
0x58: {  	_ =	sdelay $0x2  }
0x59: {  	s15 =	sadd.s32 $0x400, s15;
	s17 =	sadd.s32 s17, s13  }
.Ltmp5:
0x5a: {  	_ = 	snop;
	(pc) =	sbr.rel .LBB2_6-.Ltmp5, $1  }
0x5b: {  	_ =	sdelay $0x3  }
.LBB2_8:
0x5c: {  	_ =	sfence.sel $0x180000  }
0x5d: {  	s1 =	simm.s32 $0x2;
	[bflag:$0x0] =	sbarrier.arrive $0xFFFF  }
0x5e: {  	s30 =	simm.s32 $0x3;
	[sflag:s1] =	ssyncpa.u1 $0x1  }
0x5f: {  	s31 =	simm.s32 $0x1;
	[sflag:s30] =	ssyncpa.u1 $0x1  }
0x60: {  	[sflag:s31] =	ssyncpa.u1 $0x1  }
0x61: {  	p0 =	sne.s32 s0, $0x0;
	_ =	strace $0x9000004A  }
0x62: {  	s0 =	sadd.s32 @!p0 $0x100000, s2;
	[bflag:$0x2] =	sbarrier.arrive $0xFFFF  }
0x63: {  	[sflag:s0] =	ssyncadd.tile.s32 @!p0 $0x1;
	_ =	shalt  }
.Lfunc_end2:
_tile_overlayer_lowered:
.L_overlay_start_2:
0x64: {  	(tag) =	ssettag $0x2  }
0x65: {  	s0 =	rddreg [dreg:$0x0];
	s2 =	stileid.u32  }
0x66: {  	s1 =	rddreg [dreg:$0x1];
	p0 =	sne.s32 s2, $0x0  }
0x67: {  	s3 =	rddreg [dreg:$0x2];
	[bflag:$0x3] =	sbarrier.arrive $0xFFFF;
	s2 =	simm.s32 @!p0 $0x1C01  }
0x68: {  	[timem:s3], [sflag:s2] =	dma.local @!p0 [hbm:s0], s1  }
0x69: {  	s0 =	simm.s32 @!p0 $0x1  }
0x6a: {  	_ =	swait.ge @!p0 [sflag:s0], s1  }
0x6b: {  	s1 =	ssub.s32 @!p0 $0x0, s1;
	[sflag:s0] =	ssyncset.done @!p0 $0x0  }
0x6c: {  	[sflag:s0] =	ssyncadd.s32 @!p0 s1  }
0x6d: {  	[bflag:$0x3] =	sbarrier.arrive $0xFFFF  }
0x6e: {  	_ =	shalt  }

// kernel: gather_offload_async_start
scs
__scs_entry_jumppad:
0x0: {  	(pc) =	sbr.rel $0x88, $3  }
0x1: {  	(tag) =	ssettag $0x0;
	lr =	simm.s32 $0x1  }
0x2: {  	[smem:$0x3F94] =	sst lr;
	_ =	strace $0xD0000000  }
0x3: {  	_ = 	snop  }
0x4: {  	_ = 	snop  }
0x5: {  	_ = 	snop  }
0x6: {  	_ = 	snop  }
0x7: {  	_ = 	snop  }
__scs_overlays_trampoline_lowered:
0x8: {  	[smem:$0x3FA3] =	sst s0  }
0x9: {  	[smem:$0x3FA4] =	sst s1  }
0xa: {  	[smem:$0x3FA5] =	sst s2  }
0xb: {  	[smem:$0x3FA6] =	sst s3  }
0xc: {  	[smem:$0x3FA7] =	sst s4  }
0xd: {  	[smem:$0x3FA8] =	sst s5  }
0xe: {  	[smem:$0x3FA9] =	sst s6  }
0xf: {  	[smem:$0x3FAA] =	sst s7  }
0x10: {  	[smem:$0x3FAB] =	sst s8  }
0x11: {  	[smem:$0x3FAC] =	sst s9;
	s0 =	simm.s32 @!p0 $0x0  }
0x12: {  	s1 =	sld [smem:$0x3F92];
	s0 =	simm.s32 @p0 $0x1  }
0x13: {  	[smem:$0x3FAD] =	sst s0;
	s0 =	simm.s32 @!p1 $0x0  }
0x14: {  	s2 =	sld [smem:$0x3F91];
	s0 =	simm.s32 @p1 $0x1  }
0x15: {  	[smem:$0x3FAE] =	sst s0;
	s0 =	simm.s32 @!p2 $0x0  }
0x16: {  	s3 =	sld [smem:$0x3FDB];
	s0 =	simm.s32 @p2 $0x1  }
0x17: {  	s4 =	simm.s32 $0x1BF5;
	[smem:$0x3FB0] =	sst s0  }
0x18: {  	s0 =	sld [smem:$0x3F93];
	_ =	swait.ge [sflag:s4], $0x0  }
0x19: {  	s7 =	sld [smem:$0x3F94]  }
0x1a: {  	s8 =	sadd.s32 $0xFFFFE003, lr  }
0x1b: {  	s9 =	sadd.s32 $0xFFFFFEF7, lr;
	s5 =	simm.s32 $0xFFFFFFFF;
	p2 =	slt.u32 s8, $0xFFFFF086  }
0x1c: {  	p1 =	slt.u32 s9, $0xF7A;
	s5 =	simm.s32 @!p2 $0x0  }
0x1d: {  	s5 =	simm.s32 @p1 $0x1;
	p0 =	seq.s32 s7, s2  }
0x1e: {  	s7 =	smul.u32 @!p0 $0xF7A, s2;
	p2 =	seq.s32 @!p0 s5, $0x0  }
0x1f: {  	s9 =	smul.u32 $0xF7A, s1;
	s8 =	simm.s32 @!p0 $0x1BF5;
	p2 =	por !p2, p0  }
0x20: {  	[sflag:s8] =	ssyncset.s32 @!p0 $0xFFFFF086;
	s6 =	sadd.s32 @!p0 s3, s7;
	s7 =	simm.s32 @!p0 $0x108  }
0x21: {  	s3 =	sadd.s32 s3, s9;
	s6 =	sadd.s32 @!p0 $0x88, s6;
	s7 =	simm.s32 @p2 $0x1082  }
0x22: {  	[simem:s7], [sflag:s8] =	dma.local @!p0 [hbm:s6], $0xF7A  }
0x23: {  	s9 =	sor.u32 $0xD0000000, s2;
	s6 =	simm.s32 $0x108;
	_ =	swait.ge @!p0 [sflag:s8], $0x0  }
0x24: {  	s3 =	sadd.s32 $0x88, s3;
	s6 =	simm.s32 @!p1 $0x1082;
	[sflag:s4] =	ssyncset.s32 $0xFFFFF086  }
0x25: {  	[simem:s6], [sflag:s4] =	dma.local [hbm:s3], $0xF7A  }
0x26: {  	[smem:$0x3F94] =	sst s1;
	(tag) =	ssettag s2;
	_ =	strace s9  }
0x27: {  	s1 =	sld [smem:$0x3FA4]  }
0x28: {  	s2 =	sld [smem:$0x3FA5]  }
0x29: {  	s4 =	sld [smem:$0x3FA7]  }
0x2a: {  	p0 =	seq.s32 s5, $0x0;
	s5 =	sld [smem:$0x3FA8]  }
0x2b: {  	s6 =	sld [smem:$0x3FA9]  }
0x2c: {  	s7 =	sld [smem:$0x3FAA]  }
0x2d: {  	s3 =	simm.s32 $0x108;
	s8 =	sld [smem:$0x3FAB]  }
0x2e: {  	s3 =	simm.s32 @!p0 $0x1082;
	s9 =	sld [smem:$0x3FAC]  }
0x2f: {  	lr =	sadd.s32 s0, s3;
	s0 =	sld [smem:$0x3FA3]  }
0x30: {  	s3 =	sld [smem:$0x3FA6]  }
0x31: {  	[smem:$0x3FAF] =	sst s10  }
0x32: {  	s10 =	sld [smem:$0x3FAD];
	_ =	sdelay $0x3  }
0x33: {  	p0 =	seq.s32 s10, $0x1;
	s10 =	sld [smem:$0x3FAF];
	_ =	sdelay $0x3  }
0x34: {  	[smem:$0x3FAF] =	sst s10  }
0x35: {  	s10 =	sld [smem:$0x3FAE];
	_ =	sdelay $0x3  }
0x36: {  	p1 =	seq.s32 s10, $0x1;
	s10 =	sld [smem:$0x3FAF];
	_ =	sdelay $0x3  }
0x37: {  	[smem:$0x3FAF] =	sst s10  }
0x38: {  	s10 =	sld [smem:$0x3FB0]  }
0x39: {  	_ = 	snop;
	(pc) =	sbr.ind lr, $3  }
0x3a: {  	_ = 	snop  }
0x3b: {  	_ = 	snop  }
0x3c: {  	p2 =	seq.s32 s10, $0x1;
	s10 =	sld [smem:$0x3FAF]  }
0x3d: {  	_ =	shalt  }
0x3e: {  	_ =	shalt  }
0x3f: {  	_ =	shalt  }
0x40: {  	_ =	shalt  }
0x41: {  	_ =	shalt  }
0x42: {  	_ =	shalt  }
0x43: {  	_ =	shalt  }
0x44: {  	_ =	shalt  }
0x45: {  	_ =	shalt  }
0x46: {  	_ =	shalt  }
0x47: {  	_ =	shalt  }
0x48: {  	_ =	shalt  }
0x49: {  	_ =	shalt  }
0x4a: {  	_ =	shalt  }
0x4b: {  	_ =	shalt  }
0x4c: {  	_ =	shalt  }
0x4d: {  	_ =	shalt  }
0x4e: {  	_ =	shalt  }
0x4f: {  	_ =	shalt  }
0x50: {  	_ =	shalt  }
0x51: {  	_ =	shalt  }
0x52: {  	_ =	shalt  }
0x53: {  	_ =	shalt  }
0x54: {  	_ =	shalt  }
0x55: {  	_ =	shalt  }
0x56: {  	_ =	shalt  }
0x57: {  	_ =	shalt  }
0x58: {  	_ =	shalt  }
0x59: {  	_ =	shalt  }
0x5a: {  	_ =	shalt  }
0x5b: {  	_ =	shalt  }
0x5c: {  	_ =	shalt  }
0x5d: {  	_ =	shalt  }
0x5e: {  	_ =	shalt  }
0x5f: {  	_ =	shalt  }
0x60: {  	_ =	shalt  }
0x61: {  	_ =	shalt  }
0x62: {  	_ =	shalt  }
0x63: {  	_ =	shalt  }
0x64: {  	_ =	shalt  }
0x65: {  	_ =	shalt  }
0x66: {  	_ =	shalt  }
0x67: {  	_ =	shalt  }
0x68: {  	_ =	shalt  }
0x69: {  	_ =	shalt  }
0x6a: {  	_ =	shalt  }
0x6b: {  	_ =	shalt  }
0x6c: {  	_ =	shalt  }
0x6d: {  	_ =	shalt  }
0x6e: {  	_ =	shalt  }
0x6f: {  	_ =	shalt  }
0x70: {  	_ =	shalt  }
0x71: {  	_ =	shalt  }
0x72: {  	_ =	shalt  }
0x73: {  	_ =	shalt  }
0x74: {  	_ =	shalt  }
0x75: {  	_ =	shalt  }
0x76: {  	_ =	shalt  }
0x77: {  	_ =	shalt  }
0x78: {  	_ =	shalt  }
0x79: {  	_ =	shalt  }
0x7a: {  	_ =	shalt  }
0x7b: {  	_ =	shalt  }
0x7c: {  	_ =	shalt  }
0x7d: {  	_ =	shalt  }
0x7e: {  	_ =	shalt  }
0x7f: {  	_ =	shalt  }
0x80: {  	_ =	shalt  }
0x81: {  	_ =	shalt  }
0x82: {  	_ =	shalt  }
0x83: {  	_ =	shalt  }
0x84: {  	_ =	shalt  }
0x85: {  	_ =	shalt  }
0x86: {  	_ =	shalt  }
0x87: {  	_ =	shalt  }
.Lfunc_end0:
.L_simem_size_0:
called_computation_lowered:
.L_overlay_start_0:
0x88: {  	s2 =	sld [smem:$0x3FD9]  }
0x89: {  	s3 =	sld [smem:$0x3FFE];
	_ =	sdelay $0x1  }
0x8a: {  	s1 =	srdreg.scid  }
0x8b: {  	s0 =	sand.u32 $0x1, s1  }
0x8c: {  	s17 =	sshll.u32 s0, $0xA;
	s2 =	sadd.s32 s3, s2  }
0x8d: {  	s2 =	sadd.s32 s2, s17  }
0x8e: {  	[smem:$0x3FBB] =	sst s2  }
0x8f: {  	_ = 	snop  }
0x90: {  	s2 =	sld [smem:$0x3FC9];
	(tm) =	ssettm $0x1  }
0x91: {  	s18 =	sld [smem:$0x3FFB];
	_ =	sdelay $0x3  }
0x92: {  	_ =	strace s18  }
0x93: {  	s3 =	sld [smem:$0x3FFC];
	_ =	sdelay $0x3  }
0x94: {  	_ =	strace s3  }
0x95: {  	s3 =	sld [smem:$0x3FFD];
	_ =	sdelay $0x3  }
0x96: {  	_ =	strace s3  }
0x97: {  	_ =	strace $0x8FFFFFFF  }
0x98: {  	s19 =	sld [smem:$0x3FDB];
	_ =	sdelay $0x1  }
0x99: {  	s4 =	simm.s32 $_scs_section_size  }
0x9a: {  	s5 =	simm.s32 $_size__tile_overlayer_lowered;
	s6 =	simm.s32 $_tile_overlayer_lowered  }
0x9b: {  	s22 =	simm.s32 $0x1BFF;
	s21 =	sshll.u32 s6, $0x1;
	s3 =	sadd.s32 s4, s19  }
0x9c: {  	s7 =	simm.s32 $0x0;
	s20 =	sshll.u32 s5, $0x1;
	s5 =	sadd.s32 s21, s3  }
0x9d: {  	[timem:s7], [sflag:s22] =	dma.local [hbm:s5], s20  }
0x9e: {  	_ =	swait.ge [sflag:s22], s20  }
0x9f: {  	s4 =	ssub.s32 $0x0, s20;
	[sflag:s22] =	ssyncset.done $0x0  }
0xa0: {  	[sflag:s22] =	ssyncadd.s32 s4;
	_ =	sdelay $0x1  }
0xa1: {  	s23 =	simm.s32 $0x1B8B  }
0xa2: {  	_ =	swait.ge [sflag:s23], $0x1  }
0xa3: {  	[sflag:s23] =	ssyncset.done $0x0  }
0xa4: {  	s25 =	simm.s32 $0x1B8E;
	s24 =	sld [smem:$0x3FFE];
	[sflag:s23] =	ssyncadd.s32 $0xFFFFFFFF  }
0xa5: {  	s26 =	simm.s32 $execute0_lowered;
	[smem:$0x3FD2] =	sst s25  }
0xa6: {  	s5 =	sshll.u32 s26, $0x1;
	_ =	strace $0x80000046;
	[dreg:$0x1] =	wrdreg $0xFFFFFFFF  }
0xa7: {  	s28 =	simm.s32 $_size_execute0_lowered;
	s3 =	sadd.s32 s3, s5;
	[dreg:$0x0] =	wrdreg $0x0  }
0xa8: {  	s5 =	sshll.u32 s28, $0x1;
	[dreg:$0x2] =	wrdreg s3  }
0xa9: {  	[dreg:$0x3] =	wrdreg s5  }
0xaa: {  	[dreg:$0x4] =	wrdreg $0xC0  }
0xab: {  	_ =	task [dreg:s7], $0x5FFFF  }
0xac: {  	[dreg:$0x1] =	wrdreg $0xFFFFFFFF  }
0xad: {  	[dreg:$0x0] =	wrdreg $0x60  }
0xae: {  	[dreg:$0x2] =	wrdreg s2  }
0xaf: {  	[dreg:$0x3] =	wrdreg s24  }
0xb0: {  	[dreg:$0x4] =	wrdreg $0x9  }
0xb1: {  	_ =	task.clear_ibuf [dreg:s7], $0x5FFFF;
	_ =	strace $0x90000046  }
0xb2: {  	s29 =	simm.s32 $0x9;
	_ =	strace $0x80000048  }
0xb3: {  	_ =	swait.ge [sflag:s29], $0x1  }
0xb4: {  	[sflag:s29] =	ssyncadd.s32 $0xFFFFFFFF  }
0xb5: {  	_ =	strace $0x90000048  }
0xb6: {  	_ =	sfence  }
0xb7: {  	s30 =	sld [smem:$0x0];
	_ =	sdelay $0x2  }
0xb8: {  	s31 =	sshll.u32 s1, $0xD;
	s1 =	sshrl.u32 s1, $0x2  }
0xb9: {  	s3 =	sand.u32 $0x4000, s31;
	s1 =	sadd.s32 s1, s30  }
0xba: {  	s0 =	sor.u32 s3, s0;
	s1 =	sshll.u32 s1, $0x11  }
0xbb: {  	s0 =	sor.u32 s1, s0  }
0xbc: {  	s0 =	sadd.s32 $0x8F2B, s0  }
0xbd: {  	[sflag:s0] =	ssyncadd.remote.s32 $0x1  }
0xbe: {  	_ =	sfence.sel $0xFFFF  }
0xbf: {  	[dreg:$0x0] =	wrdreg $0xFFFFFFFF;
	(pc) =	sbr.abs _section_cstart, $3  }
0xc0: {  	[dreg:$0x1] =	wrdreg $0xFFFFFFFF  }
0xc1: {  	_ =	task.clear_ibuf [dreg:s7], $0x2FFFF;
	_ =	strace $0x9FFFFFFF  }
0xc2: {  	(tm) =	ssettm $0x7FFFFFFF  }
0xc3: {  	_ =	shalt  }
tec
execute0_lowered:
.L_overlay_start_1:
0x0: {  	(tag) =	ssettag $0x1  }
0x1: {  	s0 =	srdreg.scid  }
0x2: {  	s1 =	sshll.u32 s0, $0x4  }
0x3: {  	s0 =	stileid.u32;
	s1 =	sand.u32 $0x10, s1  }
0x4: {  	s2 =	sor.u32 s0, s1  }
0x5: {  	s1 =	smul.u32 $0x5, s2  }
0x6: {  	s3 =	smin.u32 s2, $0x12  }
0x7: {  	s1 =	sadd.s32 s3, s1  }
0x8: {  	p0 =	slt.u32 s2, $0x12;
	s2 =	simm.s32 $0x8A0;
	s1 =	smul.u32 $0x170, s1  }
0x9: {  	s2 =	simm.s32 @!p0 $0x730  }
0xa: {  	s2 =	sadd.s32 s2, s1  }
0xb: {  	s3 =	smin.u32 s2, $0xFFE0  }
0xc: {  	s7 =	ssub.s32 s3, s1  }
0xd: {  	p0 =	sgt.s32 s7, $0x0  }
0xe: {  	s7 =	simm.s32 @!p0 $0x0  }
0xf: {  	s31 =	sand.u32 $0xFFF0, s7  }
0x10: {  	s2 =	sshrl.u32 s31, $0x4  }
0x11: {  	s4 =	rddreg [dreg:$0x0];
	s2 =	smul.u32 $0xB22, s2  }
0x12: {  	s9 =	rddreg [dreg:$0x1];
	s6 =	simm.s32 $0x1  }
0x13: {  	s11 =	simm.s32 $0x3;
	s13 =	simm.s32 $0x0;
	s8 =	sshrl.u32 s2, $0x10  }
0x14: {  	s12 =	simm.s32 $0x0;
	s5 =	sadd.s32 $0x2800, s9;
	s10 =	smul.u32 $0x170, s8  }
.Ltmp0:
0x15: {  	s9 =	sadd.s32 $0x4800, s9;
	s2 =	rddreg [dreg:$0x2];
	(pc) =	sbr.rel .LBB2_1-.Ltmp0, $4  }
0x16: {  	_ =	strace $0x80000047;
	p0 =	sne.s32 s7, s10;
	s10 =	simm.s32 $0x1  }
0x17: {  	[sflag:s6] =	ssyncpa.u1 $0x0;
	s7 =	simm.s32 $0x2;
	s10 =	simm.s32 @!p0 $0x0  }
0x18: {  	[sflag:s7] =	ssyncpa.u1 $0x0;
	p0 =	por $0x0, $0x0;
	s8 =	sadd.s32 s8, s10  }
0x19: {  	vm0 =	vmmov $0xff;
	vm1 =	vcmask $0x3F20;
	[sflag:s11] =	ssyncpa.u1 $0x0;
	s11 =	smov.u32 s1;
	s10 =	sadd.s32 $0x1, s8  }
.LBB2_6:
0x1a: {  	[hbm:s17] =	stream.linear.scatter [tilespmem:s14], [sflag:$0x3], $0x400, $0x38;
	[tilespmem:$0x172E0] =	vst v63  }
.LBB2_7:
0x1b: {  	s13 =	sadd.s32 $0x170, s11  }
0x1c: {  	s15 =	smov.u32 s1;
	p2 =	slt.s32 s13, s3  }
0x1d: {  	s15 =	smov.u32 @p2 s13;
	p2 =	sne.s32 s12, s10  }
.Ltmp1:
0x1e: {  	p1 =	slt.u32 s12, $0x2;
	(pc) =	sbr.rel @!p2 .LBB2_8-.Ltmp1, $4  }
0x1f: {  	s14 =	simm.s32 @!p1 $0x3  }
0x20: {  	s16 =	sadd.s32 $0x1, s12;
	_ =	swait.ge @!p1 [sflag:s14], $0xB800  }
0x21: {  	p0 =	por !p0, !p0;
	s13 =	smov.u32 s11;
	[sflag:s14] =	ssyncset.done @!p1 $0x0  }
0x22: {  	s12 =	smov.u32 s16;
	s11 =	smov.u32 s15;
	[sflag:s14] =	ssyncadd.s32 @!p1 $0xFFFF4800  }
.LBB2_1:
0x23: {  	p1 =	sge.u32 s12, s8  }
0x24: {  	s14 =	sxor.u32 @!p1 $0xFFFFFFFF, s12  }
0x25: {  	s14 =	sand.u32 @!p1 $0x1, s14  }
0x26: {  	s14 =	smul.u32 @!p1 $0x5C0, s14  }
0x27: {  	s31 =	sadd.s32 $0xFFFFFFFF, s12;
	s15 =	sshrl.u32 @!p1 s11, $0x3  }
0x28: {  	s16 =	sand.u32 @!p1 $0x7, s11;
	s15 =	sadd.s32 @!p1 s5, s15;
	s14 =	sshrl.u32 @!p1 s14, $0x2  }
0x29: {  	[tilespmem:s14], [sflag:$0x2] =	stream.linear.gather @!p1 [hbm4b:s15+s16], $0x170, $0x38;
	[tilespmem:$0x172E0] =	vst v63  }
0x2a: {  	p1 =	sge.u32 s31, s8  }
.Ltmp2:
0x2b: {  	_ = 	snop;
	(pc) =	sbr.rel @p1 .LBB2_7-.Ltmp2, $1  }
0x2c: {  	_ =	sdelay $0x3  }
0x2d: {  	s14 =	simm.s32 $0x1  }
0x2e: {  	s14 =	simm.s32 @!p0 $0x0  }
0x2f: {  	s15 =	smul.u32 $0x5C0, s14  }
0x30: {  	_ =	swait.ge [sflag:s7], $0x170  }
0x31: {  	[sflag:s7] =	ssyncset.done $0x0;
	s16 =	sshrl.u32 s15, $0x2  }
0x32: {  	[sflag:s7] =	ssyncadd.s32 $0xFFFFFE90;
	s15 =	sadd.s32 $0x0, s16  }
0x33: {  	v0 =	vld.msk [tilespmem:s15+$0x0 ss:$0x1], $0xffff;
	_ =	sdelay $0x4  }
0x34: {  	vm2 =	vgt.s32 v0, $0x0  }
0x35: {  	v0 =	vnsel vm2, $0x0, v0  }
0x36: {  	v0 =	vmin.u32 v0, $0x1FFBF  }
0x37: {  	v0 =	vshll.u32 v0, $0x4  }
0x38: {  	s14 =	smul.u32 $0x2E000, s14;
	_ =	sdelay $0x1  }
0x39: {  	s14 =	sshrl.u32 s14, $0x2  }
0x3a: {  	s14 =	sor.u32 $0x2E0, s14  }
0x3b: {  	[tilespmem:s14], [sflag:$0x1] =	stream.indirect_vreg.gather [hbm:s4], $0x80, v0, vm0, $0x38;
	[tilespmem:$0x172E0] =	vst v63  }
0x3c: {  	s17 =	sadd.s32 $0x10, s16;
	s15 =	sadd.s32 $0x400, s14  }
0x3d: {  	[tilespmem:s15], [sflag:$0x1] =	stream.indirect_vreg.gather [hbm:s4], $0x80, v0, vm1, $0x38;
	[tilespmem:$0x172E0] =	vst v63  }
0x3e: {  	s18 =	simm.s32 $0x80;
	v0 =	vld.msk [tilespmem:s17+$0x0 ss:$0x1], $0xffff;
	s17 =	smov.u32 s14  }
.LBB2_3:
0x3f: {  	p1 =	sne.s32 s18, $0x580;
	_ =	sdelay $0x4  }
0x40: {  	vm2 =	vgt.s32 v0, $0x0  }
0x41: {  	v0 =	vnsel vm2, $0x0, v0  }
0x42: {  	v0 =	vmin.u32 v0, $0x1FFBF  }
0x43: {  	v0 =	vshll.u32 v0, $0x4;
	_ =	sdelay $0x3  }
.Ltmp3:
0x44: {  	s19 =	sshra.s32 s18, $0x2;
	s17 =	sadd.s32 $0x800, s17;
	(pc) =	sbr.rel @p1 .LBB2_3-.Ltmp3, $4  }
0x45: {  	[tilespmem:s17], [sflag:$0x1] =	stream.indirect_vreg.gather [hbm:s4], $0x80, v0, vm0, $0x38;
	[tilespmem:$0x172E0] =	vst v63  }
0x46: {  	s19 =	sadd.s32 s19, s16;
	s20 =	sadd.s32 $0x400, s17  }
0x47: {  	[tilespmem:s20], [sflag:$0x1] =	stream.indirect_vreg.gather [hbm:s4], $0x80, v0, vm1, $0x38;
	[tilespmem:$0x172E0] =	vst v63  }
0x48: {  	s18 =	sadd.s32 $0x40, s18;
	v0 =	vld.msk [tilespmem:s19+$0x0 ss:$0x1], $0xffff  }
0x49: {  	_ =	sdelay $0x3  }
0x4a: {  	vm2 =	vgt.s32 v0, $0x0  }
0x4b: {  	v0 =	vnsel vm2, $0x0, v0  }
0x4c: {  	v0 =	vmin.u32 v0, $0x1FFBF  }
0x4d: {  	v0 =	vshll.u32 v0, $0x4;
	_ =	sdelay $0x3  }
0x4e: {  	s16 =	sadd.s32 $0x800, s17  }
0x4f: {  	[tilespmem:s16], [sflag:$0x1] =	stream.indirect_vreg.gather [hbm:s4], $0x80, v0, vm0, $0x38;
	[tilespmem:$0x172E0] =	vst v63  }
0x50: {  	s16 =	sadd.s32 $0x400, s16  }
0x51: {  	[tilespmem:s16], [sflag:$0x1] =	stream.indirect_vreg.gather [hbm:s4], $0x80, v0, vm1, $0x38;
	[tilespmem:$0x172E0] =	vst v63  }
0x52: {  	s13 =	sshll.u32 s13, $0x4;
	_ =	swait.ge [sflag:s6], $0xB800  }
0x53: {  	s13 =	sadd.s32 s13, s9;
	[sflag:s6] =	ssyncset.done $0x0  }
0x54: {  	s17 =	sadd.s32 $0x0, s13;
	s16 =	simm.s32 $0x80;
	[sflag:s6] =	ssyncadd.s32 $0xFFFF4800  }
.LBB2_5:
0x55: {  	[hbm:s17] =	stream.linear.scatter [tilespmem:s14], [sflag:$0x3], $0x400, $0x38;
	[tilespmem:$0x172E0] =	vst v63  }
0x56: {  	s17 =	smov.u32 s16;
	s14 =	smov.u32 s15;
	p1 =	sne.s32 s16, $0x1680  }
.Ltmp4:
0x57: {  	s16 =	sadd.s32 $0x80, s16;
	(pc) =	sbr.rel @p1 .LBB2_5-.Ltmp4, $2  }
0x58: {  	_ =	sdelay $0x2  }
0x59: {  	s15 =	sadd.s32 $0x400, s15;
	s17 =	sadd.s32 s17, s13  }
.Ltmp5:
0x5a: {  	_ = 	snop;
	(pc) =	sbr.rel .LBB2_6-.Ltmp5, $1  }
0x5b: {  	_ =	sdelay $0x3  }
.LBB2_8:
0x5c: {  	_ =	sfence.sel $0x180000  }
0x5d: {  	s1 =	simm.s32 $0x2;
	[bflag:$0x0] =	sbarrier.arrive $0xFFFF  }
0x5e: {  	s30 =	simm.s32 $0x3;
	[sflag:s1] =	ssyncpa.u1 $0x1  }
0x5f: {  	s31 =	simm.s32 $0x1;
	[sflag:s30] =	ssyncpa.u1 $0x1  }
0x60: {  	[sflag:s31] =	ssyncpa.u1 $0x1  }
0x61: {  	p0 =	sne.s32 s0, $0x0;
	_ =	strace $0x90000047  }
0x62: {  	s0 =	sadd.s32 @!p0 $0x100000, s2;
	[bflag:$0x2] =	sbarrier.arrive $0xFFFF  }
0x63: {  	[sflag:s0] =	ssyncadd.tile.s32 @!p0 $0x1;
	_ =	shalt  }
.Lfunc_end2:
_tile_overlayer_lowered:
.L_overlay_start_2:
0x64: {  	(tag) =	ssettag $0x2  }
0x65: {  	s0 =	rddreg [dreg:$0x0];
	s2 =	stileid.u32  }
0x66: {  	s1 =	rddreg [dreg:$0x1];
	p0 =	sne.s32 s2, $0x0  }
0x67: {  	s3 =	rddreg [dreg:$0x2];
	[bflag:$0x3] =	sbarrier.arrive $0xFFFF;
	s2 =	simm.s32 @!p0 $0x1C01  }
0x68: {  	[timem:s3], [sflag:s2] =	dma.local @!p0 [hbm:s0], s1  }
0x69: {  	s0 =	simm.s32 @!p0 $0x1  }
0x6a: {  	_ =	swait.ge @!p0 [sflag:s0], s1  }
0x6b: {  	s1 =	ssub.s32 @!p0 $0x0, s1;
	[sflag:s0] =	ssyncset.done @!p0 $0x0  }
0x6c: {  	[sflag:s0] =	ssyncadd.s32 @!p0 s1  }
0x6d: {  	[bflag:$0x3] =	sbarrier.arrive $0xFFFF  }
0x6e: {  	_ =	shalt  }

</sc_bundles>
